<compile_context>
chip_gen: v7x
topology: tpu7x:2x2x1
jax: 0.10.2.dev20260603
libtpu: 0.0.44.dev20260713+nightly
codegen_flags: <defaults>
</compile_context>

<pallas_src>
import functools

import jax
import jax.numpy as jnp
from jax import lax
from jax.experimental import pallas as pl
from jax.experimental.pallas import tpu as pltpu
from jax.experimental.pallas import tpu_sc as plsc

N = 10000
E = 320000
D = 128
B = 64
H1 = 256
H2 = 128

NC = 2
NS = 16
EPT = E // NS
C = 80
NCH = EPT // C
CL = C
NL = EPT // CL
NH = 5120
TRASH = NH
NHP = NH + 8
RPT = NH // NS
ZR = 160

_mesh = plsc.VectorSubcoreMesh(core_axis_name="c", subcore_axis_name="s")


def _remap_indices(idx_v, c):
    lo = c * NH

    def remap(kk, _):
        for i in range(C // 16):
            iv = idx_v[kk, pl.ds(i * 16, 16)]
            local = iv - lo
            inrange = (local >= 0) & (local < NH)
            idx_v[kk, pl.ds(i * 16, 16)] = jnp.where(inrange, local, TRASH)
        return 0

    lax.fori_loop(0, NCH, remap, 0)


@functools.partial(
    pl.kernel,
    mesh=_mesh,
    out_type=[
        jax.ShapeDtypeStruct((NC, NH, D), jnp.float32),
    ],
    scratch_types=[
        pltpu.VMEM((NCH, C), jnp.int32),
        pltpu.VMEM((2, CL, D), jnp.float32),
        pltpu.VMEM((ZR, D), jnp.float32),
        pltpu.VMEM_SHARED((NHP, D), jnp.float32),
        pltpu.SemaphoreType.DMA,
        pltpu.SemaphoreType.DMA,
    ],
)
def _sc_scatter(edge_hbm, col3_hbm, sums_hbm, idx_v, rows_v, zero_v, acc_sh,
                sem0, sem1):
    t = lax.axis_index("s")
    c = lax.axis_index("c")

    zeros16 = jnp.zeros((16,), jnp.float32)

    def zrow(i, _):
        for j in range(D // 16):
            zero_v[i, pl.ds(j * 16, 16)] = zeros16
        return 0

    lax.fori_loop(0, ZR, zrow, 0)

    for j in range(RPT // ZR):
        pltpu.sync_copy(zero_v, acc_sh.at[pl.ds(t * RPT + j * ZR, ZR)])

    @pl.when(t == 0)
    def _zero_trash():
        pltpu.sync_copy(zero_v.at[pl.ds(0, 8)], acc_sh.at[pl.ds(NH, 8)])

    plsc.subcore_barrier()

    pltpu.sync_copy(col3_hbm.at[t], idx_v)
    _remap_indices(idx_v, c)

    ebase = t * EPT
    sems = (sem0, sem1)

    def load(l, buf):
        pltpu.async_copy(edge_hbm.at[pl.ds(ebase + l * CL, CL)],
                         rows_v.at[buf], sems[buf])

    def wait(buf):
        pltpu.make_async_copy(edge_hbm.at[pl.ds(0, CL)], rows_v.at[buf],
                              sems[buf]).wait()

    def scat(l, buf):
        pltpu.sync_copy(rows_v.at[buf], acc_sh.at[idx_v.at[l]], add=True)

    load(0, 0)
    load(1, 1)

    def body(kk, _):
        for b in range(2):
            l = 2 * kk + b
            wait(b)
            scat(l, b)

            @pl.when(l + 2 < NL)
            def _():
                load(l + 2, b)
        return 0

    lax.fori_loop(0, NL // 2, body, 0)

    plsc.subcore_barrier()

    pltpu.sync_copy(acc_sh.at[pl.ds(t * RPT, RPT)],
                    sums_hbm.at[c, pl.ds(t * RPT, RPT)])


@functools.partial(
    pl.kernel,
    mesh=_mesh,
    out_type=[
        jax.ShapeDtypeStruct((NC, NH, 16), jnp.float32),
    ],
    scratch_types=[
        pltpu.VMEM((NCH, C), jnp.int32),
        pltpu.VMEM((C, 16), jnp.float32),
        pltpu.VMEM((ZR, 16), jnp.float32),
        pltpu.VMEM_SHARED((NHP, 16), jnp.float32),
        pltpu.SemaphoreType.DMA,
    ],
)
def _sc_count(col3_hbm, counts_hbm, idx_v, ones_v, zero16_v, cnt_sh, sem):
    t = lax.axis_index("s")
    c = lax.axis_index("c")

    zeros16 = jnp.zeros((16,), jnp.float32)
    ones16 = jnp.ones((16,), jnp.float32)

    def zrow(i, _):
        zero16_v[i, :] = zeros16
        return 0

    lax.fori_loop(0, ZR, zrow, 0)

    def orow(i, _):
        ones_v[i, :] = ones16
        return 0

    lax.fori_loop(0, C, orow, 0)

    for j in range(RPT // ZR):
        pltpu.sync_copy(zero16_v, cnt_sh.at[pl.ds(t * RPT + j * ZR, ZR)])

    @pl.when(t == 0)
    def _zero_trash():
        pltpu.sync_copy(zero16_v.at[pl.ds(0, 8)], cnt_sh.at[pl.ds(NH, 8)])

    plsc.subcore_barrier()

    pltpu.sync_copy(col3_hbm.at[t], idx_v)
    _remap_indices(idx_v, c)

    WAVE = 25

    def body(kk, _):
        for j in range(WAVE):
            pltpu.async_copy(ones_v, cnt_sh.at[idx_v.at[kk * WAVE + j]], sem)
        for j in range(WAVE):
            pltpu.make_async_copy(ones_v, cnt_sh.at[idx_v.at[0]], sem).wait()
        return 0

    lax.fori_loop(0, NCH // WAVE, body, 0)

    plsc.subcore_barrier()

    pltpu.sync_copy(cnt_sh.at[pl.ds(t * RPT, RPT)],
                    counts_hbm.at[c, pl.ds(t * RPT, RPT)])


BN = 1000
_GRID = N // BN


def _mlp_body(sums_ref, counts_ref, node_ref, batch_ref, u_ref,
              w1_ref, b1_ref, w2_ref, b2_ref, out_ref):
    s = sums_ref[...]
    cnt = counts_ref[:, 0]
    agg = s / jnp.maximum(cnt, 1.0)[:, None]
    bvec = batch_ref[0, 0, :]
    onehot = (bvec[:, None]
              == lax.broadcasted_iota(jnp.int32, (BN, B), 1)
              ).astype(jnp.float32)
    ub = jnp.dot(onehot, u_ref[...],
                 preferred_element_type=jnp.float32)
    x = jnp.concatenate([node_ref[...], agg, ub], axis=1)
    h = jnp.dot(x, w1_ref[...],
                preferred_element_type=jnp.float32) + b1_ref[...]
    h = jnp.maximum(h, 0.0)
    y = jnp.dot(h, w2_ref[...],
                preferred_element_type=jnp.float32) + b2_ref[...]
    out_ref[...] = y


_mlp_call = pl.pallas_call(
    _mlp_body,
    grid=(_GRID,),
    in_specs=[
        pl.BlockSpec((BN, D), lambda i: (i, 0)),
        pl.BlockSpec((BN, 16), lambda i: (i, 0)),
        pl.BlockSpec((BN, D), lambda i: (i, 0)),
        pl.BlockSpec((1, 1, BN), lambda i: (i, 0, 0)),
        pl.BlockSpec((B, D), lambda i: (0, 0)),
        pl.BlockSpec((3 * D, H1), lambda i: (0, 0)),
        pl.BlockSpec((1, H1), lambda i: (0, 0)),
        pl.BlockSpec((H1, H2), lambda i: (0, 0)),
        pl.BlockSpec((1, H2), lambda i: (0, 0)),
    ],
    out_specs=pl.BlockSpec((BN, H2), lambda i: (i, 0)),
    out_shape=jax.ShapeDtypeStruct((N, H2), jnp.float32),
)


@jax.jit
def kernel(node_attr, edge_index, edge_attr, u, batch, W1, b1, W2, b2):
    col3 = edge_index[1].reshape(NS, NCH, C)
    (sums,) = _sc_scatter(edge_attr, col3)
    (counts,) = _sc_count(col3)
    sums_n = sums.reshape(NC * NH, D)
    counts_n = counts.reshape(NC * NH, 16)
    batch3 = batch.reshape(_GRID, 1, BN)
    return _mlp_call(sums_n, counts_n, node_attr, batch3, u,
                     W1, b1.reshape(1, H1), W2, b2.reshape(1, H2))

# --- scband reference (transcript-rebuilt; emitter-appended) ---
"""Pipeline reference for scband-node-model-223338299450 (READ-ONLY COPY).

The authoritative reference and input builder live on the scoring server;
editing this copy changes nothing except your own understanding.
"""

import jax, jax.numpy as jnp
import numpy as np

N = 10000
E = 320000
D = 128
B = 64
H1 = 256
H2 = 128
IN_DIM = 3 * D  # node_attr + scatter_mean(edge_attr) + u[batch]


def setup_inputs(seed: int = 0) -> dict:
    key = jax.random.key(seed)
    ks = jax.random.split(key, 10)
    node_attr = jax.random.normal(ks[0], (N, D), dtype=jnp.float32)
    edge_index = jax.random.randint(ks[1], (2, E), 0, N, dtype=jnp.int32)
    edge_attr = jax.random.normal(ks[2], (E, D), dtype=jnp.float32)
    u = jax.random.normal(ks[3], (B, D), dtype=jnp.float32)
    batch = jnp.sort(jax.random.randint(ks[4], (N,), 0, B, dtype=jnp.int32))
    # mlp_function params: Linear(384->256), ReLU, Linear(256->128)
    W1 = jax.random.normal(ks[5], (IN_DIM, H1), dtype=jnp.float32) * 0.05
    b1 = jnp.zeros((H1,), dtype=jnp.float32)
    W2 = jax.random.normal(ks[6], (H1, H2), dtype=jnp.float32) * 0.05
    b2 = jnp.zeros((H2,), dtype=jnp.float32)
    return {"node_attr": node_attr, "edge_index": edge_index, "edge_attr": edge_attr,
            "u": u, "batch": batch, "W1": W1, "b1": b1, "W2": W2, "b2": b2}


def _scatter_mean(src, index, dim_size):
    sums = jnp.zeros((dim_size, src.shape[1]), dtype=src.dtype).at[index].add(src)
    counts = jnp.zeros((dim_size,), dtype=src.dtype).at[index].add(1.0)
    counts = jnp.maximum(counts, 1.0)
    return sums / counts[:, None]


def reference(node_attr, edge_index, edge_attr, u, batch, W1, b1, W2, b2):
    row = edge_index[0]
    col = edge_index[1]
    # use_sent_edge=False: only received-edge aggregation (scatter_mean over col)
    agg = _scatter_mean(edge_attr, col, node_attr.shape[0])
    out = jnp.concatenate([node_attr, agg, u[batch]], axis=1)
    h = jnp.maximum(out @ W1 + b1, 0.0)
    return h @ W2 + b2

if __name__ == "__main__":
    import jax
    _d = setup_inputs()
    print(jax.jit(kernel)(*tuple(_d.values())))

</pallas_src>

<mosaic_0001>
#map = affine_map<(d0, d1) -> (0, 0, 0)>
module attributes {stable_mosaic.version = 14 : i64} {
  func.func @_sc_count(%arg0: i32, %arg1: i32, %arg2: memref<16x250x80xi32, #tpu.memory_space<hbm>>, %arg3: memref<2x5120x16xf32, #tpu.memory_space<hbm>>, %arg4: memref<250x80xi32, #tpu.memory_space<vmem>>, %arg5: memref<80x16xf32, #tpu.memory_space<vmem>>, %arg6: memref<160x16xf32, #tpu.memory_space<vmem>>, %arg7: memref<5128x16xf32, #tpu.memory_space<vmem_shared>>, %arg8: memref<!tpu.dma_semaphore, #tpu.memory_space<semaphore_mem>>) attributes {dimension_semantics = [#tpu.dimension_semantics<core_parallel>, #tpu.dimension_semantics<subcore_parallel>], iteration_bounds = array<i64: 2, 16>, scalar_prefetch = 0 : i64, scratch_operands = 5 : i64, tpu.core_type = #tpu.core_type<sc_vector_subcore>, window_params = [{transform_indices = #map}, {transform_indices = #map}]} {
    %broadcast_in_dim3A = arith.constant 0.000000e+00 : f32
    %broadcast_in_dim3A_0 = vector.broadcast %broadcast_in_dim3A : f32 to vector<16xf32>
    %broadcast_in_dim3A_1 = arith.constant 1.000000e+00 : f32
    %broadcast_in_dim3A_2 = vector.broadcast %broadcast_in_dim3A_1 : f32 to vector<16xf32>
    %scan3A = arith.constant 0 : i32
    %scan3A_3 = arith.constant 0 : i32
    %scan3A_4 = arith.constant 160 : i32
    %scan3A_5 = arith.addi %scan3A_3, %scan3A_4 : i32
    %scan3A_6 = arith.constant 1 : i32
    %scan3A_7 = scf.for %scan3A_45 = %scan3A_3 to %scan3A_5 step %scan3A_6 iter_args(%scan3A_46 = %scan3A) -> (i32)  : i32 {
      %swap3A = arith.index_cast %scan3A_45 : i32 to index
      %swap3A_47 = arith.constant 0 : index
      %swap3A_48 = tpu.vector_load %arg6[%swap3A, %swap3A_47] {strides = array<i32>} : memref<160x16xf32, #tpu.memory_space<vmem>>, vector<1x16xf32>,
      %swap3A_49 = vector.shape_cast %swap3A_48 : vector<1x16xf32> to vector<16xf32>
      %swap3A_50 = vector.shape_cast %broadcast_in_dim3A_0 : vector<16xf32> to vector<1x16xf32>
      tpu.vector_store %arg6[%swap3A, %swap3A_47], %swap3A_50 {strides = array<i32>} : memref<160x16xf32, #tpu.memory_space<vmem>>, vector<1x16xf32>,
      %scan3A_51 = arith.constant 0 : i32
      scf.yield %scan3A_51 : i32
    }
    %scan3A_8 = arith.constant 160 : i32
    %scan3A_9 = arith.constant 0 : i32
    %scan3A_10 = arith.constant 0 : i32
    %scan3A_11 = arith.constant 80 : i32
    %scan3A_12 = arith.addi %scan3A_10, %scan3A_11 : i32
    %scan3A_13 = arith.constant 1 : i32
    %scan3A_14 = scf.for %scan3A_45 = %scan3A_10 to %scan3A_12 step %scan3A_13 iter_args(%scan3A_46 = %scan3A_9) -> (i32)  : i32 {
      %swap3A = arith.index_cast %scan3A_45 : i32 to index
      %swap3A_47 = arith.constant 0 : index
      %swap3A_48 = tpu.vector_load %arg5[%swap3A, %swap3A_47] {strides = array<i32>} : memref<80x16xf32, #tpu.memory_space<vmem>>, vector<1x16xf32>,
      %swap3A_49 = vector.shape_cast %swap3A_48 : vector<1x16xf32> to vector<16xf32>
      %swap3A_50 = vector.shape_cast %broadcast_in_dim3A_2 : vector<16xf32> to vector<1x16xf32>
      tpu.vector_store %arg5[%swap3A, %swap3A_47], %swap3A_50 {strides = array<i32>} : memref<80x16xf32, #tpu.memory_space<vmem>>, vector<1x16xf32>,
      %scan3A_51 = arith.constant 0 : i32
      scf.yield %scan3A_51 : i32
    }
    %scan3A_15 = arith.constant 80 : i32
    %mul3A = arith.constant 320 : i32
    %mul3A_16 = arith.muli %arg1, %mul3A : i32
    %add3A = arith.constant 0 : i32
    %add3A_17 = arith.addi %mul3A_16, %add3A : i32
    "tpu.region"() ({
      %run_scoped3A = tpu.sem_alloc : memref<!tpu.dma_semaphore, #tpu.memory_space<semaphore_mem>>
      %dma_start3A = arith.constant 0 : i32
      %dma_start3A_45 = tpu.memref_slice %arg7[%add3A_17, %dma_start3A] : memref<5128x16xf32, #tpu.memory_space<vmem_shared>> -> memref<160x16xf32, #tpu.memory_space<vmem_shared>>
      %dma_start3A_46 = arith.constant 0 : i32
      %dma_start3A_47 = tpu.memref_slice %arg7[%add3A_17, %dma_start3A_46] : memref<5128x16xf32, #tpu.memory_space<vmem_shared>> -> memref<160x16xf32, #tpu.memory_space<vmem_shared>>
      tpu.enqueue_dma source(%arg6 : memref<160x16xf32, #tpu.memory_space<vmem>>) target(%dma_start3A_47 : memref<160x16xf32, #tpu.memory_space<vmem_shared>>) target_semaphore(%run_scoped3A : memref<!tpu.dma_semaphore, #tpu.memory_space<semaphore_mem>>)
      %dma_wait3A = arith.constant 0 : i32
      %dma_wait3A_48 = tpu.memref_slice %arg7[%add3A_17, %dma_wait3A] : memref<5128x16xf32, #tpu.memory_space<vmem_shared>> -> memref<160x16xf32, #tpu.memory_space<vmem_shared>>
      %dma_wait3A_49 = arith.constant 0 : i32
      %dma_wait3A_50 = tpu.memref_slice %arg7[%add3A_17, %dma_wait3A_49] : memref<5128x16xf32, #tpu.memory_space<vmem_shared>> -> memref<160x16xf32, #tpu.memory_space<vmem_shared>>
      tpu.wait_dma2 semaphore(%run_scoped3A : memref<!tpu.dma_semaphore, #tpu.memory_space<semaphore_mem>>) src(%arg6 : memref<160x16xf32, #tpu.memory_space<vmem>>) dst(%dma_wait3A_50 : memref<160x16xf32, #tpu.memory_space<vmem_shared>>)
      tpu.yield
    }) : () -> ()
    %mul3A_18 = arith.constant 320 : i32
    %mul3A_19 = arith.muli %arg1, %mul3A_18 : i32
    %add3A_20 = arith.constant 160 : i32
    %add3A_21 = arith.addi %mul3A_19, %add3A_20 : i32
    "tpu.region"() ({
      %run_scoped3A = tpu.sem_alloc : memref<!tpu.dma_semaphore, #tpu.memory_space<semaphore_mem>>
      %dma_start3A = arith.constant 0 : i32
      %dma_start3A_45 = tpu.memref_slice %arg7[%add3A_21, %dma_start3A] : memref<5128x16xf32, #tpu.memory_space<vmem_shared>> -> memref<160x16xf32, #tpu.memory_space<vmem_shared>>
      %dma_start3A_46 = arith.constant 0 : i32
      %dma_start3A_47 = tpu.memref_slice %arg7[%add3A_21, %dma_start3A_46] : memref<5128x16xf32, #tpu.memory_space<vmem_shared>> -> memref<160x16xf32, #tpu.memory_space<vmem_shared>>
      tpu.enqueue_dma source(%arg6 : memref<160x16xf32, #tpu.memory_space<vmem>>) target(%dma_start3A_47 : memref<160x16xf32, #tpu.memory_space<vmem_shared>>) target_semaphore(%run_scoped3A : memref<!tpu.dma_semaphore, #tpu.memory_space<semaphore_mem>>)
      %dma_wait3A = arith.constant 0 : i32
      %dma_wait3A_48 = tpu.memref_slice %arg7[%add3A_21, %dma_wait3A] : memref<5128x16xf32, #tpu.memory_space<vmem_shared>> -> memref<160x16xf32, #tpu.memory_space<vmem_shared>>
      %dma_wait3A_49 = arith.constant 0 : i32
      %dma_wait3A_50 = tpu.memref_slice %arg7[%add3A_21, %dma_wait3A_49] : memref<5128x16xf32, #tpu.memory_space<vmem_shared>> -> memref<160x16xf32, #tpu.memory_space<vmem_shared>>
      tpu.wait_dma2 semaphore(%run_scoped3A : memref<!tpu.dma_semaphore, #tpu.memory_space<semaphore_mem>>) src(%arg6 : memref<160x16xf32, #tpu.memory_space<vmem>>) dst(%dma_wait3A_50 : memref<160x16xf32, #tpu.memory_space<vmem_shared>>)
      tpu.yield
    }) : () -> ()
    %eq3A = arith.constant 0 : i32
    %eq3A_22 = arith.cmpi eq, %arg1, %eq3A : i32
    %convert_element_type3A = arith.extui %eq3A_22 : i1 to i32
    %cond3A = arith.constant 0 : i32
    %cond3A_23 = arith.cmpi ne, %convert_element_type3A, %cond3A : i32
    scf.if %cond3A_23 {
      "tpu.region"() ({
        %run_scoped3A = tpu.sem_alloc : memref<!tpu.dma_semaphore, #tpu.memory_space<semaphore_mem>>
        %dma_start3A = arith.constant 0 : i32
        %dma_start3A_45 = arith.constant 0 : i32
        %dma_start3A_46 = tpu.memref_slice %arg6[%dma_start3A, %dma_start3A_45] : memref<160x16xf32, #tpu.memory_space<vmem>> -> memref<8x16xf32, #tpu.memory_space<vmem>>
        %dma_start3A_47 = arith.constant 5120 : i32
        %dma_start3A_48 = arith.constant 0 : i32
        %dma_start3A_49 = tpu.memref_slice %arg7[%dma_start3A_47, %dma_start3A_48] : memref<5128x16xf32, #tpu.memory_space<vmem_shared>> -> memref<8x16xf32, #tpu.memory_space<vmem_shared>>
        %dma_start3A_50 = arith.constant 5120 : i32
        %dma_start3A_51 = arith.constant 0 : i32
        %dma_start3A_52 = tpu.memref_slice %arg7[%dma_start3A_50, %dma_start3A_51] : memref<5128x16xf32, #tpu.memory_space<vmem_shared>> -> memref<8x16xf32, #tpu.memory_space<vmem_shared>>
        %dma_start3A_53 = arith.constant 0 : i32
        %dma_start3A_54 = arith.constant 0 : i32
        %dma_start3A_55 = tpu.memref_slice %arg6[%dma_start3A_53, %dma_start3A_54] : memref<160x16xf32, #tpu.memory_space<vmem>> -> memref<8x16xf32, #tpu.memory_space<vmem>>
        tpu.enqueue_dma source(%dma_start3A_55 : memref<8x16xf32, #tpu.memory_space<vmem>>) target(%dma_start3A_52 : memref<8x16xf32, #tpu.memory_space<vmem_shared>>) target_semaphore(%run_scoped3A : memref<!tpu.dma_semaphore, #tpu.memory_space<semaphore_mem>>)
        %dma_wait3A = arith.constant 0 : i32
        %dma_wait3A_56 = arith.constant 0 : i32
        %dma_wait3A_57 = tpu.memref_slice %arg6[%dma_wait3A, %dma_wait3A_56] : memref<160x16xf32, #tpu.memory_space<vmem>> -> memref<8x16xf32, #tpu.memory_space<vmem>>
        %dma_wait3A_58 = arith.constant 5120 : i32
        %dma_wait3A_59 = arith.constant 0 : i32
        %dma_wait3A_60 = tpu.memref_slice %arg7[%dma_wait3A_58, %dma_wait3A_59] : memref<5128x16xf32, #tpu.memory_space<vmem_shared>> -> memref<8x16xf32, #tpu.memory_space<vmem_shared>>
        %dma_wait3A_61 = arith.constant 5120 : i32
        %dma_wait3A_62 = arith.constant 0 : i32
        %dma_wait3A_63 = tpu.memref_slice %arg7[%dma_wait3A_61, %dma_wait3A_62] : memref<5128x16xf32, #tpu.memory_space<vmem_shared>> -> memref<8x16xf32, #tpu.memory_space<vmem_shared>>
        %dma_wait3A_64 = arith.constant 0 : i32
        %dma_wait3A_65 = arith.constant 0 : i32
        %dma_wait3A_66 = tpu.memref_slice %arg6[%dma_wait3A_64, %dma_wait3A_65] : memref<160x16xf32, #tpu.memory_space<vmem>> -> memref<8x16xf32, #tpu.memory_space<vmem>>
        tpu.wait_dma2 semaphore(%run_scoped3A : memref<!tpu.dma_semaphore, #tpu.memory_space<semaphore_mem>>) src(%dma_wait3A_66 : memref<8x16xf32, #tpu.memory_space<vmem>>) dst(%dma_wait3A_63 : memref<8x16xf32, #tpu.memory_space<vmem_shared>>)
        tpu.yield
      }) : () -> ()
    } else {
    }
    %barrier3A = arith.constant 0 : index
    tpu.barrier barrier_id(%barrier3A)
    "tpu.region"() ({
      %run_scoped3A = tpu.sem_alloc : memref<!tpu.dma_semaphore, #tpu.memory_space<semaphore_mem>>
      %dma_start3A = arith.constant 0 : i32
      %dma_start3A_45 = arith.constant 0 : i32
      %dma_start3A_46 = tpu.memref_slice %arg2[%arg1, %dma_start3A, %dma_start3A_45] : memref<16x250x80xi32, #tpu.memory_space<hbm>> -> memref<1x250x80xi32, #tpu.memory_space<hbm>>
      %dma_start3A_47 = tpu.memref_squeeze %dma_start3A_46 : memref<1x250x80xi32, #tpu.memory_space<hbm>> -> memref<250x80xi32, #tpu.memory_space<hbm>>
      %dma_start3A_48 = arith.constant 0 : i32
      %dma_start3A_49 = arith.constant 0 : i32
      %dma_start3A_50 = tpu.memref_slice %arg2[%arg1, %dma_start3A_48, %dma_start3A_49] : memref<16x250x80xi32, #tpu.memory_space<hbm>> -> memref<1x250x80xi32, #tpu.memory_space<hbm>>
      %dma_start3A_51 = tpu.memref_squeeze %dma_start3A_50 : memref<1x250x80xi32, #tpu.memory_space<hbm>> -> memref<250x80xi32, #tpu.memory_space<hbm>>
      tpu.enqueue_dma source(%dma_start3A_51 : memref<250x80xi32, #tpu.memory_space<hbm>>) target(%arg4 : memref<250x80xi32, #tpu.memory_space<vmem>>) target_semaphore(%run_scoped3A : memref<!tpu.dma_semaphore, #tpu.memory_space<semaphore_mem>>)
      %dma_wait3A = arith.constant 0 : i32
      %dma_wait3A_52 = arith.constant 0 : i32
      %dma_wait3A_53 = tpu.memref_slice %arg2[%arg1, %dma_wait3A, %dma_wait3A_52] : memref<16x250x80xi32, #tpu.memory_space<hbm>> -> memref<1x250x80xi32, #tpu.memory_space<hbm>>
      %dma_wait3A_54 = tpu.memref_squeeze %dma_wait3A_53 : memref<1x250x80xi32, #tpu.memory_space<hbm>> -> memref<250x80xi32, #tpu.memory_space<hbm>>
      %dma_wait3A_55 = arith.constant 0 : i32
      %dma_wait3A_56 = arith.constant 0 : i32
      %dma_wait3A_57 = tpu.memref_slice %arg2[%arg1, %dma_wait3A_55, %dma_wait3A_56] : memref<16x250x80xi32, #tpu.memory_space<hbm>> -> memref<1x250x80xi32, #tpu.memory_space<hbm>>
      %dma_wait3A_58 = tpu.memref_squeeze %dma_wait3A_57 : memref<1x250x80xi32, #tpu.memory_space<hbm>> -> memref<250x80xi32, #tpu.memory_space<hbm>>
      tpu.wait_dma2 semaphore(%run_scoped3A : memref<!tpu.dma_semaphore, #tpu.memory_space<semaphore_mem>>) src(%dma_wait3A_58 : memref<250x80xi32, #tpu.memory_space<hbm>>) dst(%arg4 : memref<250x80xi32, #tpu.memory_space<vmem>>)
      tpu.yield
    }) : () -> ()
    %mul3A_24 = arith.constant 5120 : i32
    %mul3A_25 = arith.muli %arg0, %mul3A_24 : i32
    %scan3A_26 = arith.constant 0 : i32
    %scan3A_27 = arith.constant 0 : i32
    %scan3A_28 = arith.constant 250 : i32
    %scan3A_29 = arith.addi %scan3A_27, %scan3A_28 : i32
    %scan3A_30 = arith.constant 1 : i32
    %scan3A_31 = scf.for %scan3A_45 = %scan3A_27 to %scan3A_29 step %scan3A_30 iter_args(%scan3A_46 = %scan3A_26) -> (i32)  : i32 {
      %get3A = arith.index_cast %scan3A_45 : i32 to index
      %get3A_47 = arith.constant 0 : index
      %get3A_48 = tpu.vector_load %arg4[%get3A, %get3A_47] {strides = array<i32>} : memref<250x80xi32, #tpu.memory_space<vmem>>, vector<1x16xi32>,
      %get3A_49 = vector.shape_cast %get3A_48 : vector<1x16xi32> to vector<16xi32>
      %sub3A = vector.broadcast %mul3A_25 : i32 to vector<16xi32>
      %sub3A_50 = arith.subi %get3A_49, %sub3A : vector<16xi32>
      %ge3A = arith.constant 0 : i32
      %ge3A_51 = vector.broadcast %ge3A : i32 to vector<16xi32>
      %ge3A_52 = arith.cmpi sge, %sub3A_50, %ge3A_51 : vector<16xi32>
      %lt3A = arith.constant 5120 : i32
      %lt3A_53 = vector.broadcast %lt3A : i32 to vector<16xi32>
      %lt3A_54 = arith.cmpi slt, %sub3A_50, %lt3A_53 : vector<16xi32>
      %and3A = arith.andi %ge3A_52, %lt3A_54 : vector<16xi1>
      %jit3A = arith.constant 5120 : i32
      %broadcast_in_dim3A_55 = vector.broadcast %jit3A : i32 to vector<16xi32>
      %select_n3A = arith.select %and3A, %sub3A_50, %broadcast_in_dim3A_55 : vector<16xi1>, vector<16xi32>
      %swap3A = arith.index_cast %scan3A_45 : i32 to index
      %swap3A_56 = arith.constant 0 : index
      %swap3A_57 = tpu.vector_load %arg4[%swap3A, %swap3A_56] {strides = array<i32>} : memref<250x80xi32, #tpu.memory_space<vmem>>, vector<1x16xi32>,
      %swap3A_58 = vector.shape_cast %swap3A_57 : vector<1x16xi32> to vector<16xi32>
      %swap3A_59 = vector.shape_cast %select_n3A : vector<16xi32> to vector<1x16xi32>
      tpu.vector_store %arg4[%swap3A, %swap3A_56], %swap3A_59 {strides = array<i32>} : memref<250x80xi32, #tpu.memory_space<vmem>>, vector<1x16xi32>,
      %get3A_60 = arith.index_cast %scan3A_45 : i32 to index
      %get3A_61 = arith.constant 16 : index
      %get3A_62 = tpu.vector_load %arg4[%get3A_60, %get3A_61] {strides = array<i32>} : memref<250x80xi32, #tpu.memory_space<vmem>>, vector<1x16xi32>,
      %get3A_63 = vector.shape_cast %get3A_62 : vector<1x16xi32> to vector<16xi32>
      %sub3A_64 = vector.broadcast %mul3A_25 : i32 to vector<16xi32>
      %sub3A_65 = arith.subi %get3A_63, %sub3A_64 : vector<16xi32>
      %ge3A_66 = arith.constant 0 : i32
      %ge3A_67 = vector.broadcast %ge3A_66 : i32 to vector<16xi32>
      %ge3A_68 = arith.cmpi sge, %sub3A_65, %ge3A_67 : vector<16xi32>
      %lt3A_69 = arith.constant 5120 : i32
      %lt3A_70 = vector.broadcast %lt3A_69 : i32 to vector<16xi32>
      %lt3A_71 = arith.cmpi slt, %sub3A_65, %lt3A_70 : vector<16xi32>
      %and3A_72 = arith.andi %ge3A_68, %lt3A_71 : vector<16xi1>
      %jit3A_73 = arith.constant 5120 : i32
      %broadcast_in_dim3A_74 = vector.broadcast %jit3A_73 : i32 to vector<16xi32>
      %select_n3A_75 = arith.select %and3A_72, %sub3A_65, %broadcast_in_dim3A_74 : vector<16xi1>, vector<16xi32>
      %swap3A_76 = arith.index_cast %scan3A_45 : i32 to index
      %swap3A_77 = arith.constant 16 : index
      %swap3A_78 = tpu.vector_load %arg4[%swap3A_76, %swap3A_77] {strides = array<i32>} : memref<250x80xi32, #tpu.memory_space<vmem>>, vector<1x16xi32>,
      %swap3A_79 = vector.shape_cast %swap3A_78 : vector<1x16xi32> to vector<16xi32>
      %swap3A_80 = vector.shape_cast %select_n3A_75 : vector<16xi32> to vector<1x16xi32>
      tpu.vector_store %arg4[%swap3A_76, %swap3A_77], %swap3A_80 {strides = array<i32>} : memref<250x80xi32, #tpu.memory_space<vmem>>, vector<1x16xi32>,
      %get3A_81 = arith.index_cast %scan3A_45 : i32 to index
      %get3A_82 = arith.constant 32 : index
      %get3A_83 = tpu.vector_load %arg4[%get3A_81, %get3A_82] {strides = array<i32>} : memref<250x80xi32, #tpu.memory_space<vmem>>, vector<1x16xi32>,
      %get3A_84 = vector.shape_cast %get3A_83 : vector<1x16xi32> to vector<16xi32>
      %sub3A_85 = vector.broadcast %mul3A_25 : i32 to vector<16xi32>
      %sub3A_86 = arith.subi %get3A_84, %sub3A_85 : vector<16xi32>
      %ge3A_87 = arith.constant 0 : i32
      %ge3A_88 = vector.broadcast %ge3A_87 : i32 to vector<16xi32>
      %ge3A_89 = arith.cmpi sge, %sub3A_86, %ge3A_88 : vector<16xi32>
      %lt3A_90 = arith.constant 5120 : i32
      %lt3A_91 = vector.broadcast %lt3A_90 : i32 to vector<16xi32>
      %lt3A_92 = arith.cmpi slt, %sub3A_86, %lt3A_91 : vector<16xi32>
      %and3A_93 = arith.andi %ge3A_89, %lt3A_92 : vector<16xi1>
      %jit3A_94 = arith.constant 5120 : i32
      %broadcast_in_dim3A_95 = vector.broadcast %jit3A_94 : i32 to vector<16xi32>
      %select_n3A_96 = arith.select %and3A_93, %sub3A_86, %broadcast_in_dim3A_95 : vector<16xi1>, vector<16xi32>
      %swap3A_97 = arith.index_cast %scan3A_45 : i32 to index
      %swap3A_98 = arith.constant 32 : index
      %swap3A_99 = tpu.vector_load %arg4[%swap3A_97, %swap3A_98] {strides = array<i32>} : memref<250x80xi32, #tpu.memory_space<vmem>>, vector<1x16xi32>,
      %swap3A_100 = vector.shape_cast %swap3A_99 : vector<1x16xi32> to vector<16xi32>
      %swap3A_101 = vector.shape_cast %select_n3A_96 : vector<16xi32> to vector<1x16xi32>
      tpu.vector_store %arg4[%swap3A_97, %swap3A_98], %swap3A_101 {strides = array<i32>} : memref<250x80xi32, #tpu.memory_space<vmem>>, vector<1x16xi32>,
      %get3A_102 = arith.index_cast %scan3A_45 : i32 to index
      %get3A_103 = arith.constant 48 : index
      %get3A_104 = tpu.vector_load %arg4[%get3A_102, %get3A_103] {strides = array<i32>} : memref<250x80xi32, #tpu.memory_space<vmem>>, vector<1x16xi32>,
      %get3A_105 = vector.shape_cast %get3A_104 : vector<1x16xi32> to vector<16xi32>
      %sub3A_106 = vector.broadcast %mul3A_25 : i32 to vector<16xi32>
      %sub3A_107 = arith.subi %get3A_105, %sub3A_106 : vector<16xi32>
      %ge3A_108 = arith.constant 0 : i32
      %ge3A_109 = vector.broadcast %ge3A_108 : i32 to vector<16xi32>
      %ge3A_110 = arith.cmpi sge, %sub3A_107, %ge3A_109 : vector<16xi32>
      %lt3A_111 = arith.constant 5120 : i32
      %lt3A_112 = vector.broadcast %lt3A_111 : i32 to vector<16xi32>
      %lt3A_113 = arith.cmpi slt, %sub3A_107, %lt3A_112 : vector<16xi32>
      %and3A_114 = arith.andi %ge3A_110, %lt3A_113 : vector<16xi1>
      %jit3A_115 = arith.constant 5120 : i32
      %broadcast_in_dim3A_116 = vector.broadcast %jit3A_115 : i32 to vector<16xi32>
      %select_n3A_117 = arith.select %and3A_114, %sub3A_107, %broadcast_in_dim3A_116 : vector<16xi1>, vector<16xi32>
      %swap3A_118 = arith.index_cast %scan3A_45 : i32 to index
      %swap3A_119 = arith.constant 48 : index
      %swap3A_120 = tpu.vector_load %arg4[%swap3A_118, %swap3A_119] {strides = array<i32>} : memref<250x80xi32, #tpu.memory_space<vmem>>, vector<1x16xi32>,
      %swap3A_121 = vector.shape_cast %swap3A_120 : vector<1x16xi32> to vector<16xi32>
      %swap3A_122 = vector.shape_cast %select_n3A_117 : vector<16xi32> to vector<1x16xi32>
      tpu.vector_store %arg4[%swap3A_118, %swap3A_119], %swap3A_122 {strides = array<i32>} : memref<250x80xi32, #tpu.memory_space<vmem>>, vector<1x16xi32>,
      %get3A_123 = arith.index_cast %scan3A_45 : i32 to index
      %get3A_124 = arith.constant 64 : index
      %get3A_125 = tpu.vector_load %arg4[%get3A_123, %get3A_124] {strides = array<i32>} : memref<250x80xi32, #tpu.memory_space<vmem>>, vector<1x16xi32>,
      %get3A_126 = vector.shape_cast %get3A_125 : vector<1x16xi32> to vector<16xi32>
      %sub3A_127 = vector.broadcast %mul3A_25 : i32 to vector<16xi32>
      %sub3A_128 = arith.subi %get3A_126, %sub3A_127 : vector<16xi32>
      %ge3A_129 = arith.constant 0 : i32
      %ge3A_130 = vector.broadcast %ge3A_129 : i32 to vector<16xi32>
      %ge3A_131 = arith.cmpi sge, %sub3A_128, %ge3A_130 : vector<16xi32>
      %lt3A_132 = arith.constant 5120 : i32
      %lt3A_133 = vector.broadcast %lt3A_132 : i32 to vector<16xi32>
      %lt3A_134 = arith.cmpi slt, %sub3A_128, %lt3A_133 : vector<16xi32>
      %and3A_135 = arith.andi %ge3A_131, %lt3A_134 : vector<16xi1>
      %jit3A_136 = arith.constant 5120 : i32
      %broadcast_in_dim3A_137 = vector.broadcast %jit3A_136 : i32 to vector<16xi32>
      %select_n3A_138 = arith.select %and3A_135, %sub3A_128, %broadcast_in_dim3A_137 : vector<16xi1>, vector<16xi32>
      %swap3A_139 = arith.index_cast %scan3A_45 : i32 to index
      %swap3A_140 = arith.constant 64 : index
      %swap3A_141 = tpu.vector_load %arg4[%swap3A_139, %swap3A_140] {strides = array<i32>} : memref<250x80xi32, #tpu.memory_space<vmem>>, vector<1x16xi32>,
      %swap3A_142 = vector.shape_cast %swap3A_141 : vector<1x16xi32> to vector<16xi32>
      %swap3A_143 = vector.shape_cast %select_n3A_138 : vector<16xi32> to vector<1x16xi32>
      tpu.vector_store %arg4[%swap3A_139, %swap3A_140], %swap3A_143 {strides = array<i32>} : memref<250x80xi32, #tpu.memory_space<vmem>>, vector<1x16xi32>,
      %scan3A_144 = arith.constant 0 : i32
      scf.yield %scan3A_144 : i32
    }
    %scan3A_32 = arith.constant 250 : i32
    %scan3A_33 = arith.constant 0 : i32
    %scan3A_34 = arith.constant 0 : i32
    %scan3A_35 = arith.constant 10 : i32
    %scan3A_36 = arith.addi %scan3A_34, %scan3A_35 : i32
    %scan3A_37 = arith.constant 1 : i32
    %scan3A_38 = scf.for %scan3A_45 = %scan3A_34 to %scan3A_36 step %scan3A_37 iter_args(%scan3A_46 = %scan3A_33) -> (i32)  : i32 {
      %mul3A_47 = arith.constant 25 : i32
      %mul3A_48 = arith.muli %scan3A_45, %mul3A_47 : i32
      %add3A_49 = arith.constant 0 : i32
      %add3A_50 = arith.addi %mul3A_48, %add3A_49 : i32
      %dma_start3A = arith.constant 0 : i32
      %dma_start3A_51 = tpu.memref_slice %arg4[%add3A_50, %dma_start3A] : memref<250x80xi32, #tpu.memory_space<vmem>> -> memref<1x80xi32, #tpu.memory_space<vmem>>
      %dma_start3A_52 = tpu.memref_squeeze %dma_start3A_51 : memref<1x80xi32, #tpu.memory_space<vmem>> -> memref<80xi32, #tpu.memory_space<vmem>>
      %dma_start3A_53 = arith.constant 0 : i32
      %dma_start3A_54 = arith.constant 0 : i32
      %dma_start3A_55 = tpu.memref_slice %arg7[%dma_start3A_53, %dma_start3A_54] : memref<5128x16xf32, #tpu.memory_space<vmem_shared>> -> memref<5128x16xf32, #tpu.memory_space<vmem_shared>>
      tpu.enqueue_indirect_dma source(%arg5 : memref<80x16xf32, #tpu.memory_space<vmem>>) target(%dma_start3A_55 : memref<5128x16xf32, #tpu.memory_space<vmem_shared>>) offsets(%dma_start3A_52 : memref<80xi32, #tpu.memory_space<vmem>>) semaphore(%arg8 : memref<!tpu.dma_semaphore, #tpu.memory_space<semaphore_mem>>)
      %mul3A_56 = arith.constant 25 : i32
      %mul3A_57 = arith.muli %scan3A_45, %mul3A_56 : i32
      %add3A_58 = arith.constant 1 : i32
      %add3A_59 = arith.addi %mul3A_57, %add3A_58 : i32
      %dma_start3A_60 = arith.constant 0 : i32
      %dma_start3A_61 = tpu.memref_slice %arg4[%add3A_59, %dma_start3A_60] : memref<250x80xi32, #tpu.memory_space<vmem>> -> memref<1x80xi32, #tpu.memory_space<vmem>>
      %dma_start3A_62 = tpu.memref_squeeze %dma_start3A_61 : memref<1x80xi32, #tpu.memory_space<vmem>> -> memref<80xi32, #tpu.memory_space<vmem>>
      %dma_start3A_63 = arith.constant 0 : i32
      %dma_start3A_64 = arith.constant 0 : i32
      %dma_start3A_65 = tpu.memref_slice %arg7[%dma_start3A_63, %dma_start3A_64] : memref<5128x16xf32, #tpu.memory_space<vmem_shared>> -> memref<5128x16xf32, #tpu.memory_space<vmem_shared>>
      tpu.enqueue_indirect_dma source(%arg5 : memref<80x16xf32, #tpu.memory_space<vmem>>) target(%dma_start3A_65 : memref<5128x16xf32, #tpu.memory_space<vmem_shared>>) offsets(%dma_start3A_62 : memref<80xi32, #tpu.memory_space<vmem>>) semaphore(%arg8 : memref<!tpu.dma_semaphore, #tpu.memory_space<semaphore_mem>>)
      %mul3A_66 = arith.constant 25 : i32
      %mul3A_67 = arith.muli %scan3A_45, %mul3A_66 : i32
      %add3A_68 = arith.constant 2 : i32
      %add3A_69 = arith.addi %mul3A_67, %add3A_68 : i32
      %dma_start3A_70 = arith.constant 0 : i32
      %dma_start3A_71 = tpu.memref_slice %arg4[%add3A_69, %dma_start3A_70] : memref<250x80xi32, #tpu.memory_space<vmem>> -> memref<1x80xi32, #tpu.memory_space<vmem>>
      %dma_start3A_72 = tpu.memref_squeeze %dma_start3A_71 : memref<1x80xi32, #tpu.memory_space<vmem>> -> memref<80xi32, #tpu.memory_space<vmem>>
      %dma_start3A_73 = arith.constant 0 : i32
      %dma_start3A_74 = arith.constant 0 : i32
      %dma_start3A_75 = tpu.memref_slice %arg7[%dma_start3A_73, %dma_start3A_74] : memref<5128x16xf32, #tpu.memory_space<vmem_shared>> -> memref<5128x16xf32, #tpu.memory_space<vmem_shared>>
      tpu.enqueue_indirect_dma source(%arg5 : memref<80x16xf32, #tpu.memory_space<vmem>>) target(%dma_start3A_75 : memref<5128x16xf32, #tpu.memory_space<vmem_shared>>) offsets(%dma_start3A_72 : memref<80xi32, #tpu.memory_space<vmem>>) semaphore(%arg8 : memref<!tpu.dma_semaphore, #tpu.memory_space<semaphore_mem>>)
      %mul3A_76 = arith.constant 25 : i32
      %mul3A_77 = arith.muli %scan3A_45, %mul3A_76 : i32
      %add3A_78 = arith.constant 3 : i32
      %add3A_79 = arith.addi %mul3A_77, %add3A_78 : i32
      %dma_start3A_80 = arith.constant 0 : i32
      %dma_start3A_81 = tpu.memref_slice %arg4[%add3A_79, %dma_start3A_80] : memref<250x80xi32, #tpu.memory_space<vmem>> -> memref<1x80xi32, #tpu.memory_space<vmem>>
      %dma_start3A_82 = tpu.memref_squeeze %dma_start3A_81 : memref<1x80xi32, #tpu.memory_space<vmem>> -> memref<80xi32, #tpu.memory_space<vmem>>
      %dma_start3A_83 = arith.constant 0 : i32
      %dma_start3A_84 = arith.constant 0 : i32
      %dma_start3A_85 = tpu.memref_slice %arg7[%dma_start3A_83, %dma_start3A_84] : memref<5128x16xf32, #tpu.memory_space<vmem_shared>> -> memref<5128x16xf32, #tpu.memory_space<vmem_shared>>
      tpu.enqueue_indirect_dma source(%arg5 : memref<80x16xf32, #tpu.memory_space<vmem>>) target(%dma_start3A_85 : memref<5128x16xf32, #tpu.memory_space<vmem_shared>>) offsets(%dma_start3A_82 : memref<80xi32, #tpu.memory_space<vmem>>) semaphore(%arg8 : memref<!tpu.dma_semaphore, #tpu.memory_space<semaphore_mem>>)
      %mul3A_86 = arith.constant 25 : i32
      %mul3A_87 = arith.muli %scan3A_45, %mul3A_86 : i32
      %add3A_88 = arith.constant 4 : i32
      %add3A_89 = arith.addi %mul3A_87, %add3A_88 : i32
      %dma_start3A_90 = arith.constant 0 : i32
      %dma_start3A_91 = tpu.memref_slice %arg4[%add3A_89, %dma_start3A_90] : memref<250x80xi32, #tpu.memory_space<vmem>> -> memref<1x80xi32, #tpu.memory_space<vmem>>
      %dma_start3A_92 = tpu.memref_squeeze %dma_start3A_91 : memref<1x80xi32, #tpu.memory_space<vmem>> -> memref<80xi32, #tpu.memory_space<vmem>>
      %dma_start3A_93 = arith.constant 0 : i32
      %dma_start3A_94 = arith.constant 0 : i32
      %dma_start3A_95 = tpu.memref_slice %arg7[%dma_start3A_93, %dma_start3A_94] : memref<5128x16xf32, #tpu.memory_space<vmem_shared>> -> memref<5128x16xf32, #tpu.memory_space<vmem_shared>>
      tpu.enqueue_indirect_dma source(%arg5 : memref<80x16xf32, #tpu.memory_space<vmem>>) target(%dma_start3A_95 : memref<5128x16xf32, #tpu.memory_space<vmem_shared>>) offsets(%dma_start3A_92 : memref<80xi32, #tpu.memory_space<vmem>>) semaphore(%arg8 : memref<!tpu.dma_semaphore, #tpu.memory_space<semaphore_mem>>)
      %mul3A_96 = arith.constant 25 : i32
      %mul3A_97 = arith.muli %scan3A_45, %mul3A_96 : i32
      %add3A_98 = arith.constant 5 : i32
      %add3A_99 = arith.addi %mul3A_97, %add3A_98 : i32
      %dma_start3A_100 = arith.constant 0 : i32
      %dma_start3A_101 = tpu.memref_slice %arg4[%add3A_99, %dma_start3A_100] : memref<250x80xi32, #tpu.memory_space<vmem>> -> memref<1x80xi32, #tpu.memory_space<vmem>>
      %dma_start3A_102 = tpu.memref_squeeze %dma_start3A_101 : memref<1x80xi32, #tpu.memory_space<vmem>> -> memref<80xi32, #tpu.memory_space<vmem>>
      %dma_start3A_103 = arith.constant 0 : i32
      %dma_start3A_104 = arith.constant 0 : i32
      %dma_start3A_105 = tpu.memref_slice %arg7[%dma_start3A_103, %dma_start3A_104] : memref<5128x16xf32, #tpu.memory_space<vmem_shared>> -> memref<5128x16xf32, #tpu.memory_space<vmem_shared>>
      tpu.enqueue_indirect_dma source(%arg5 : memref<80x16xf32, #tpu.memory_space<vmem>>) target(%dma_start3A_105 : memref<5128x16xf32, #tpu.memory_space<vmem_shared>>) offsets(%dma_start3A_102 : memref<80xi32, #tpu.memory_space<vmem>>) semaphore(%arg8 : memref<!tpu.dma_semaphore, #tpu.memory_space<semaphore_mem>>)
      %mul3A_106 = arith.constant 25 : i32
      %mul3A_107 = arith.muli %scan3A_45, %mul3A_106 : i32
      %add3A_108 = arith.constant 6 : i32
      %add3A_109 = arith.addi %mul3A_107, %add3A_108 : i32
      %dma_start3A_110 = arith.constant 0 : i32
      %dma_start3A_111 = tpu.memref_slice %arg4[%add3A_109, %dma_start3A_110] : memref<250x80xi32, #tpu.memory_space<vmem>> -> memref<1x80xi32, #tpu.memory_space<vmem>>
      %dma_start3A_112 = tpu.memref_squeeze %dma_start3A_111 : memref<1x80xi32, #tpu.memory_space<vmem>> -> memref<80xi32, #tpu.memory_space<vmem>>
      %dma_start3A_113 = arith.constant 0 : i32
      %dma_start3A_114 = arith.constant 0 : i32
      %dma_start3A_115 = tpu.memref_slice %arg7[%dma_start3A_113, %dma_start3A_114] : memref<5128x16xf32, #tpu.memory_space<vmem_shared>> -> memref<5128x16xf32, #tpu.memory_space<vmem_shared>>
      tpu.enqueue_indirect_dma source(%arg5 : memref<80x16xf32, #tpu.memory_space<vmem>>) target(%dma_start3A_115 : memref<5128x16xf32, #tpu.memory_space<vmem_shared>>) offsets(%dma_start3A_112 : memref<80xi32, #tpu.memory_space<vmem>>) semaphore(%arg8 : memref<!tpu.dma_semaphore, #tpu.memory_space<semaphore_mem>>)
      %mul3A_116 = arith.constant 25 : i32
      %mul3A_117 = arith.muli %scan3A_45, %mul3A_116 : i32
      %add3A_118 = arith.constant 7 : i32
      %add3A_119 = arith.addi %mul3A_117, %add3A_118 : i32
      %dma_start3A_120 = arith.constant 0 : i32
      %dma_start3A_121 = tpu.memref_slice %arg4[%add3A_119, %dma_start3A_120] : memref<250x80xi32, #tpu.memory_space<vmem>> -> memref<1x80xi32, #tpu.memory_space<vmem>>
      %dma_start3A_122 = tpu.memref_squeeze %dma_start3A_121 : memref<1x80xi32, #tpu.memory_space<vmem>> -> memref<80xi32, #tpu.memory_space<vmem>>
      %dma_start3A_123 = arith.constant 0 : i32
      %dma_start3A_124 = arith.constant 0 : i32
      %dma_start3A_125 = tpu.memref_slice %arg7[%dma_start3A_123, %dma_start3A_124] : memref<5128x16xf32, #tpu.memory_space<vmem_shared>> -> memref<5128x16xf32, #tpu.memory_space<vmem_shared>>
      tpu.enqueue_indirect_dma source(%arg5 : memref<80x16xf32, #tpu.memory_space<vmem>>) target(%dma_start3A_125 : memref<5128x16xf32, #tpu.memory_space<vmem_shared>>) offsets(%dma_start3A_122 : memref<80xi32, #tpu.memory_space<vmem>>) semaphore(%arg8 : memref<!tpu.dma_semaphore, #tpu.memory_space<semaphore_mem>>)
      %mul3A_126 = arith.constant 25 : i32
      %mul3A_127 = arith.muli %scan3A_45, %mul3A_126 : i32
      %add3A_128 = arith.constant 8 : i32
      %add3A_129 = arith.addi %mul3A_127, %add3A_128 : i32
      %dma_start3A_130 = arith.constant 0 : i32
      %dma_start3A_131 = tpu.memref_slice %arg4[%add3A_129, %dma_start3A_130] : memref<250x80xi32, #tpu.memory_space<vmem>> -> memref<1x80xi32, #tpu.memory_space<vmem>>
      %dma_start3A_132 = tpu.memref_squeeze %dma_start3A_131 : memref<1x80xi32, #tpu.memory_space<vmem>> -> memref<80xi32, #tpu.memory_space<vmem>>
      %dma_start3A_133 = arith.constant 0 : i32
      %dma_start3A_134 = arith.constant 0 : i32
      %dma_start3A_135 = tpu.memref_slice %arg7[%dma_start3A_133, %dma_start3A_134] : memref<5128x16xf32, #tpu.memory_space<vmem_shared>> -> memref<5128x16xf32, #tpu.memory_space<vmem_shared>>
      tpu.enqueue_indirect_dma source(%arg5 : memref<80x16xf32, #tpu.memory_space<vmem>>) target(%dma_start3A_135 : memref<5128x16xf32, #tpu.memory_space<vmem_shared>>) offsets(%dma_start3A_132 : memref<80xi32, #tpu.memory_space<vmem>>) semaphore(%arg8 : memref<!tpu.dma_semaphore, #tpu.memory_space<semaphore_mem>>)
      %mul3A_136 = arith.constant 25 : i32
      %mul3A_137 = arith.muli %scan3A_45, %mul3A_136 : i32
      %add3A_138 = arith.constant 9 : i32
      %add3A_139 = arith.addi %mul3A_137, %add3A_138 : i32
      %dma_start3A_140 = arith.constant 0 : i32
      %dma_start3A_141 = tpu.memref_slice %arg4[%add3A_139, %dma_start3A_140] : memref<250x80xi32, #tpu.memory_space<vmem>> -> memref<1x80xi32, #tpu.memory_space<vmem>>
      %dma_start3A_142 = tpu.memref_squeeze %dma_start3A_141 : memref<1x80xi32, #tpu.memory_space<vmem>> -> memref<80xi32, #tpu.memory_space<vmem>>
      %dma_start3A_143 = arith.constant 0 : i32
      %dma_start3A_144 = arith.constant 0 : i32
      %dma_start3A_145 = tpu.memref_slice %arg7[%dma_start3A_143, %dma_start3A_144] : memref<5128x16xf32, #tpu.memory_space<vmem_shared>> -> memref<5128x16xf32, #tpu.memory_space<vmem_shared>>
      tpu.enqueue_indirect_dma source(%arg5 : memref<80x16xf32, #tpu.memory_space<vmem>>) target(%dma_start3A_145 : memref<5128x16xf32, #tpu.memory_space<vmem_shared>>) offsets(%dma_start3A_142 : memref<80xi32, #tpu.memory_space<vmem>>) semaphore(%arg8 : memref<!tpu.dma_semaphore, #tpu.memory_space<semaphore_mem>>)
      %mul3A_146 = arith.constant 25 : i32
      %mul3A_147 = arith.muli %scan3A_45, %mul3A_146 : i32
      %add3A_148 = arith.constant 10 : i32
      %add3A_149 = arith.addi %mul3A_147, %add3A_148 : i32
      %dma_start3A_150 = arith.constant 0 : i32
      %dma_start3A_151 = tpu.memref_slice %arg4[%add3A_149, %dma_start3A_150] : memref<250x80xi32, #tpu.memory_space<vmem>> -> memref<1x80xi32, #tpu.memory_space<vmem>>
      %dma_start3A_152 = tpu.memref_squeeze %dma_start3A_151 : memref<1x80xi32, #tpu.memory_space<vmem>> -> memref<80xi32, #tpu.memory_space<vmem>>
      %dma_start3A_153 = arith.constant 0 : i32
      %dma_start3A_154 = arith.constant 0 : i32
      %dma_start3A_155 = tpu.memref_slice %arg7[%dma_start3A_153, %dma_start3A_154] : memref<5128x16xf32, #tpu.memory_space<vmem_shared>> -> memref<5128x16xf32, #tpu.memory_space<vmem_shared>>
      tpu.enqueue_indirect_dma source(%arg5 : memref<80x16xf32, #tpu.memory_space<vmem>>) target(%dma_start3A_155 : memref<5128x16xf32, #tpu.memory_space<vmem_shared>>) offsets(%dma_start3A_152 : memref<80xi32, #tpu.memory_space<vmem>>) semaphore(%arg8 : memref<!tpu.dma_semaphore, #tpu.memory_space<semaphore_mem>>)
      %mul3A_156 = arith.constant 25 : i32
      %mul3A_157 = arith.muli %scan3A_45, %mul3A_156 : i32
      %add3A_158 = arith.constant 11 : i32
      %add3A_159 = arith.addi %mul3A_157, %add3A_158 : i32
      %dma_start3A_160 = arith.constant 0 : i32
      %dma_start3A_161 = tpu.memref_slice %arg4[%add3A_159, %dma_start3A_160] : memref<250x80xi32, #tpu.memory_space<vmem>> -> memref<1x80xi32, #tpu.memory_space<vmem>>
      %dma_start3A_162 = tpu.memref_squeeze %dma_start3A_161 : memref<1x80xi32, #tpu.memory_space<vmem>> -> memref<80xi32, #tpu.memory_space<vmem>>
      %dma_start3A_163 = arith.constant 0 : i32
      %dma_start3A_164 = arith.constant 0 : i32
      %dma_start3A_165 = tpu.memref_slice %arg7[%dma_start3A_163, %dma_start3A_164] : memref<5128x16xf32, #tpu.memory_space<vmem_shared>> -> memref<5128x16xf32, #tpu.memory_space<vmem_shared>>
      tpu.enqueue_indirect_dma source(%arg5 : memref<80x16xf32, #tpu.memory_space<vmem>>) target(%dma_start3A_165 : memref<5128x16xf32, #tpu.memory_space<vmem_shared>>) offsets(%dma_start3A_162 : memref<80xi32, #tpu.memory_space<vmem>>) semaphore(%arg8 : memref<!tpu.dma_semaphore, #tpu.memory_space<semaphore_mem>>)
      %mul3A_166 = arith.constant 25 : i32
      %mul3A_167 = arith.muli %scan3A_45, %mul3A_166 : i32
      %add3A_168 = arith.constant 12 : i32
      %add3A_169 = arith.addi %mul3A_167, %add3A_168 : i32
      %dma_start3A_170 = arith.constant 0 : i32
      %dma_start3A_171 = tpu.memref_slice %arg4[%add3A_169, %dma_start3A_170] : memref<250x80xi32, #tpu.memory_space<vmem>> -> memref<1x80xi32, #tpu.memory_space<vmem>>
      %dma_start3A_172 = tpu.memref_squeeze %dma_start3A_171 : memref<1x80xi32, #tpu.memory_space<vmem>> -> memref<80xi32, #tpu.memory_space<vmem>>
      %dma_start3A_173 = arith.constant 0 : i32
      %dma_start3A_174 = arith.constant 0 : i32
      %dma_start3A_175 = tpu.memref_slice %arg7[%dma_start3A_173, %dma_start3A_174] : memref<5128x16xf32, #tpu.memory_space<vmem_shared>> -> memref<5128x16xf32, #tpu.memory_space<vmem_shared>>
      tpu.enqueue_indirect_dma source(%arg5 : memref<80x16xf32, #tpu.memory_space<vmem>>) target(%dma_start3A_175 : memref<5128x16xf32, #tpu.memory_space<vmem_shared>>) offsets(%dma_start3A_172 : memref<80xi32, #tpu.memory_space<vmem>>) semaphore(%arg8 : memref<!tpu.dma_semaphore, #tpu.memory_space<semaphore_mem>>)
      %mul3A_176 = arith.constant 25 : i32
      %mul3A_177 = arith.muli %scan3A_45, %mul3A_176 : i32
      %add3A_178 = arith.constant 13 : i32
      %add3A_179 = arith.addi %mul3A_177, %add3A_178 : i32
      %dma_start3A_180 = arith.constant 0 : i32
      %dma_start3A_181 = tpu.memref_slice %arg4[%add3A_179, %dma_start3A_180] : memref<250x80xi32, #tpu.memory_space<vmem>> -> memref<1x80xi32, #tpu.memory_space<vmem>>
      %dma_start3A_182 = tpu.memref_squeeze %dma_start3A_181 : memref<1x80xi32, #tpu.memory_space<vmem>> -> memref<80xi32, #tpu.memory_space<vmem>>
      %dma_start3A_183 = arith.constant 0 : i32
      %dma_start3A_184 = arith.constant 0 : i32
      %dma_start3A_185 = tpu.memref_slice %arg7[%dma_start3A_183, %dma_start3A_184] : memref<5128x16xf32, #tpu.memory_space<vmem_shared>> -> memref<5128x16xf32, #tpu.memory_space<vmem_shared>>
      tpu.enqueue_indirect_dma source(%arg5 : memref<80x16xf32, #tpu.memory_space<vmem>>) target(%dma_start3A_185 : memref<5128x16xf32, #tpu.memory_space<vmem_shared>>) offsets(%dma_start3A_182 : memref<80xi32, #tpu.memory_space<vmem>>) semaphore(%arg8 : memref<!tpu.dma_semaphore, #tpu.memory_space<semaphore_mem>>)
      %mul3A_186 = arith.constant 25 : i32
      %mul3A_187 = arith.muli %scan3A_45, %mul3A_186 : i32
      %add3A_188 = arith.constant 14 : i32
      %add3A_189 = arith.addi %mul3A_187, %add3A_188 : i32
      %dma_start3A_190 = arith.constant 0 : i32
      %dma_start3A_191 = tpu.memref_slice %arg4[%add3A_189, %dma_start3A_190] : memref<250x80xi32, #tpu.memory_space<vmem>> -> memref<1x80xi32, #tpu.memory_space<vmem>>
      %dma_start3A_192 = tpu.memref_squeeze %dma_start3A_191 : memref<1x80xi32, #tpu.memory_space<vmem>> -> memref<80xi32, #tpu.memory_space<vmem>>
      %dma_start3A_193 = arith.constant 0 : i32
      %dma_start3A_194 = arith.constant 0 : i32
      %dma_start3A_195 = tpu.memref_slice %arg7[%dma_start3A_193, %dma_start3A_194] : memref<5128x16xf32, #tpu.memory_space<vmem_shared>> -> memref<5128x16xf32, #tpu.memory_space<vmem_shared>>
      tpu.enqueue_indirect_dma source(%arg5 : memref<80x16xf32, #tpu.memory_space<vmem>>) target(%dma_start3A_195 : memref<5128x16xf32, #tpu.memory_space<vmem_shared>>) offsets(%dma_start3A_192 : memref<80xi32, #tpu.memory_space<vmem>>) semaphore(%arg8 : memref<!tpu.dma_semaphore, #tpu.memory_space<semaphore_mem>>)
      %mul3A_196 = arith.constant 25 : i32
      %mul3A_197 = arith.muli %scan3A_45, %mul3A_196 : i32
      %add3A_198 = arith.constant 15 : i32
      %add3A_199 = arith.addi %mul3A_197, %add3A_198 : i32
      %dma_start3A_200 = arith.constant 0 : i32
      %dma_start3A_201 = tpu.memref_slice %arg4[%add3A_199, %dma_start3A_200] : memref<250x80xi32, #tpu.memory_space<vmem>> -> memref<1x80xi32, #tpu.memory_space<vmem>>
      %dma_start3A_202 = tpu.memref_squeeze %dma_start3A_201 : memref<1x80xi32, #tpu.memory_space<vmem>> -> memref<80xi32, #tpu.memory_space<vmem>>
      %dma_start3A_203 = arith.constant 0 : i32
      %dma_start3A_204 = arith.constant 0 : i32
      %dma_start3A_205 = tpu.memref_slice %arg7[%dma_start3A_203, %dma_start3A_204] : memref<5128x16xf32, #tpu.memory_space<vmem_shared>> -> memref<5128x16xf32, #tpu.memory_space<vmem_shared>>
      tpu.enqueue_indirect_dma source(%arg5 : memref<80x16xf32, #tpu.memory_space<vmem>>) target(%dma_start3A_205 : memref<5128x16xf32, #tpu.memory_space<vmem_shared>>) offsets(%dma_start3A_202 : memref<80xi32, #tpu.memory_space<vmem>>) semaphore(%arg8 : memref<!tpu.dma_semaphore, #tpu.memory_space<semaphore_mem>>)
      %mul3A_206 = arith.constant 25 : i32
      %mul3A_207 = arith.muli %scan3A_45, %mul3A_206 : i32
      %add3A_208 = arith.constant 16 : i32
      %add3A_209 = arith.addi %mul3A_207, %add3A_208 : i32
      %dma_start3A_210 = arith.constant 0 : i32
      %dma_start3A_211 = tpu.memref_slice %arg4[%add3A_209, %dma_start3A_210] : memref<250x80xi32, #tpu.memory_space<vmem>> -> memref<1x80xi32, #tpu.memory_space<vmem>>
      %dma_start3A_212 = tpu.memref_squeeze %dma_start3A_211 : memref<1x80xi32, #tpu.memory_space<vmem>> -> memref<80xi32, #tpu.memory_space<vmem>>
      %dma_start3A_213 = arith.constant 0 : i32
      %dma_start3A_214 = arith.constant 0 : i32
      %dma_start3A_215 = tpu.memref_slice %arg7[%dma_start3A_213, %dma_start3A_214] : memref<5128x16xf32, #tpu.memory_space<vmem_shared>> -> memref<5128x16xf32, #tpu.memory_space<vmem_shared>>
      tpu.enqueue_indirect_dma source(%arg5 : memref<80x16xf32, #tpu.memory_space<vmem>>) target(%dma_start3A_215 : memref<5128x16xf32, #tpu.memory_space<vmem_shared>>) offsets(%dma_start3A_212 : memref<80xi32, #tpu.memory_space<vmem>>) semaphore(%arg8 : memref<!tpu.dma_semaphore, #tpu.memory_space<semaphore_mem>>)
      %mul3A_216 = arith.constant 25 : i32
      %mul3A_217 = arith.muli %scan3A_45, %mul3A_216 : i32
      %add3A_218 = arith.constant 17 : i32
      %add3A_219 = arith.addi %mul3A_217, %add3A_218 : i32
      %dma_start3A_220 = arith.constant 0 : i32
      %dma_start3A_221 = tpu.memref_slice %arg4[%add3A_219, %dma_start3A_220] : memref<250x80xi32, #tpu.memory_space<vmem>> -> memref<1x80xi32, #tpu.memory_space<vmem>>
      %dma_start3A_222 = tpu.memref_squeeze %dma_start3A_221 : memref<1x80xi32, #tpu.memory_space<vmem>> -> memref<80xi32, #tpu.memory_space<vmem>>
      %dma_start3A_223 = arith.constant 0 : i32
      %dma_start3A_224 = arith.constant 0 : i32
      %dma_start3A_225 = tpu.memref_slice %arg7[%dma_start3A_223, %dma_start3A_224] : memref<5128x16xf32, #tpu.memory_space<vmem_shared>> -> memref<5128x16xf32, #tpu.memory_space<vmem_shared>>
      tpu.enqueue_indirect_dma source(%arg5 : memref<80x16xf32, #tpu.memory_space<vmem>>) target(%dma_start3A_225 : memref<5128x16xf32, #tpu.memory_space<vmem_shared>>) offsets(%dma_start3A_222 : memref<80xi32, #tpu.memory_space<vmem>>) semaphore(%arg8 : memref<!tpu.dma_semaphore, #tpu.memory_space<semaphore_mem>>)
      %mul3A_226 = arith.constant 25 : i32
      %mul3A_227 = arith.muli %scan3A_45, %mul3A_226 : i32
      %add3A_228 = arith.constant 18 : i32
      %add3A_229 = arith.addi %mul3A_227, %add3A_228 : i32
      %dma_start3A_230 = arith.constant 0 : i32
      %dma_start3A_231 = tpu.memref_slice %arg4[%add3A_229, %dma_start3A_230] : memref<250x80xi32, #tpu.memory_space<vmem>> -> memref<1x80xi32, #tpu.memory_space<vmem>>
      %dma_start3A_232 = tpu.memref_squeeze %dma_start3A_231 : memref<1x80xi32, #tpu.memory_space<vmem>> -> memref<80xi32, #tpu.memory_space<vmem>>
      %dma_start3A_233 = arith.constant 0 : i32
      %dma_start3A_234 = arith.constant 0 : i32
      %dma_start3A_235 = tpu.memref_slice %arg7[%dma_start3A_233, %dma_start3A_234] : memref<5128x16xf32, #tpu.memory_space<vmem_shared>> -> memref<5128x16xf32, #tpu.memory_space<vmem_shared>>
      tpu.enqueue_indirect_dma source(%arg5 : memref<80x16xf32, #tpu.memory_space<vmem>>) target(%dma_start3A_235 : memref<5128x16xf32, #tpu.memory_space<vmem_shared>>) offsets(%dma_start3A_232 : memref<80xi32, #tpu.memory_space<vmem>>) semaphore(%arg8 : memref<!tpu.dma_semaphore, #tpu.memory_space<semaphore_mem>>)
      %mul3A_236 = arith.constant 25 : i32
      %mul3A_237 = arith.muli %scan3A_45, %mul3A_236 : i32
      %add3A_238 = arith.constant 19 : i32
      %add3A_239 = arith.addi %mul3A_237, %add3A_238 : i32
      %dma_start3A_240 = arith.constant 0 : i32
      %dma_start3A_241 = tpu.memref_slice %arg4[%add3A_239, %dma_start3A_240] : memref<250x80xi32, #tpu.memory_space<vmem>> -> memref<1x80xi32, #tpu.memory_space<vmem>>
      %dma_start3A_242 = tpu.memref_squeeze %dma_start3A_241 : memref<1x80xi32, #tpu.memory_space<vmem>> -> memref<80xi32, #tpu.memory_space<vmem>>
      %dma_start3A_243 = arith.constant 0 : i32
      %dma_start3A_244 = arith.constant 0 : i32
      %dma_start3A_245 = tpu.memref_slice %arg7[%dma_start3A_243, %dma_start3A_244] : memref<5128x16xf32, #tpu.memory_space<vmem_shared>> -> memref<5128x16xf32, #tpu.memory_space<vmem_shared>>
      tpu.enqueue_indirect_dma source(%arg5 : memref<80x16xf32, #tpu.memory_space<vmem>>) target(%dma_start3A_245 : memref<5128x16xf32, #tpu.memory_space<vmem_shared>>) offsets(%dma_start3A_242 : memref<80xi32, #tpu.memory_space<vmem>>) semaphore(%arg8 : memref<!tpu.dma_semaphore, #tpu.memory_space<semaphore_mem>>)
      %mul3A_246 = arith.constant 25 : i32
      %mul3A_247 = arith.muli %scan3A_45, %mul3A_246 : i32
      %add3A_248 = arith.constant 20 : i32
      %add3A_249 = arith.addi %mul3A_247, %add3A_248 : i32
      %dma_start3A_250 = arith.constant 0 : i32
      %dma_start3A_251 = tpu.memref_slice %arg4[%add3A_249, %dma_start3A_250] : memref<250x80xi32, #tpu.memory_space<vmem>> -> memref<1x80xi32, #tpu.memory_space<vmem>>
      %dma_start3A_252 = tpu.memref_squeeze %dma_start3A_251 : memref<1x80xi32, #tpu.memory_space<vmem>> -> memref<80xi32, #tpu.memory_space<vmem>>
      %dma_start3A_253 = arith.constant 0 : i32
      %dma_start3A_254 = arith.constant 0 : i32
      %dma_start3A_255 = tpu.memref_slice %arg7[%dma_start3A_253, %dma_start3A_254] : memref<5128x16xf32, #tpu.memory_space<vmem_shared>> -> memref<5128x16xf32, #tpu.memory_space<vmem_shared>>
      tpu.enqueue_indirect_dma source(%arg5 : memref<80x16xf32, #tpu.memory_space<vmem>>) target(%dma_start3A_255 : memref<5128x16xf32, #tpu.memory_space<vmem_shared>>) offsets(%dma_start3A_252 : memref<80xi32, #tpu.memory_space<vmem>>) semaphore(%arg8 : memref<!tpu.dma_semaphore, #tpu.memory_space<semaphore_mem>>)
      %mul3A_256 = arith.constant 25 : i32
      %mul3A_257 = arith.muli %scan3A_45, %mul3A_256 : i32
      %add3A_258 = arith.constant 21 : i32
      %add3A_259 = arith.addi %mul3A_257, %add3A_258 : i32
      %dma_start3A_260 = arith.constant 0 : i32
      %dma_start3A_261 = tpu.memref_slice %arg4[%add3A_259, %dma_start3A_260] : memref<250x80xi32, #tpu.memory_space<vmem>> -> memref<1x80xi32, #tpu.memory_space<vmem>>
      %dma_start3A_262 = tpu.memref_squeeze %dma_start3A_261 : memref<1x80xi32, #tpu.memory_space<vmem>> -> memref<80xi32, #tpu.memory_space<vmem>>
      %dma_start3A_263 = arith.constant 0 : i32
      %dma_start3A_264 = arith.constant 0 : i32
      %dma_start3A_265 = tpu.memref_slice %arg7[%dma_start3A_263, %dma_start3A_264] : memref<5128x16xf32, #tpu.memory_space<vmem_shared>> -> memref<5128x16xf32, #tpu.memory_space<vmem_shared>>
      tpu.enqueue_indirect_dma source(%arg5 : memref<80x16xf32, #tpu.memory_space<vmem>>) target(%dma_start3A_265 : memref<5128x16xf32, #tpu.memory_space<vmem_shared>>) offsets(%dma_start3A_262 : memref<80xi32, #tpu.memory_space<vmem>>) semaphore(%arg8 : memref<!tpu.dma_semaphore, #tpu.memory_space<semaphore_mem>>)
      %mul3A_266 = arith.constant 25 : i32
      %mul3A_267 = arith.muli %scan3A_45, %mul3A_266 : i32
      %add3A_268 = arith.constant 22 : i32
      %add3A_269 = arith.addi %mul3A_267, %add3A_268 : i32
      %dma_start3A_270 = arith.constant 0 : i32
      %dma_start3A_271 = tpu.memref_slice %arg4[%add3A_269, %dma_start3A_270] : memref<250x80xi32, #tpu.memory_space<vmem>> -> memref<1x80xi32, #tpu.memory_space<vmem>>
      %dma_start3A_272 = tpu.memref_squeeze %dma_start3A_271 : memref<1x80xi32, #tpu.memory_space<vmem>> -> memref<80xi32, #tpu.memory_space<vmem>>
      %dma_start3A_273 = arith.constant 0 : i32
      %dma_start3A_274 = arith.constant 0 : i32
      %dma_start3A_275 = tpu.memref_slice %arg7[%dma_start3A_273, %dma_start3A_274] : memref<5128x16xf32, #tpu.memory_space<vmem_shared>> -> memref<5128x16xf32, #tpu.memory_space<vmem_shared>>
      tpu.enqueue_indirect_dma source(%arg5 : memref<80x16xf32, #tpu.memory_space<vmem>>) target(%dma_start3A_275 : memref<5128x16xf32, #tpu.memory_space<vmem_shared>>) offsets(%dma_start3A_272 : memref<80xi32, #tpu.memory_space<vmem>>) semaphore(%arg8 : memref<!tpu.dma_semaphore, #tpu.memory_space<semaphore_mem>>)
      %mul3A_276 = arith.constant 25 : i32
      %mul3A_277 = arith.muli %scan3A_45, %mul3A_276 : i32
      %add3A_278 = arith.constant 23 : i32
      %add3A_279 = arith.addi %mul3A_277, %add3A_278 : i32
      %dma_start3A_280 = arith.constant 0 : i32
      %dma_start3A_281 = tpu.memref_slice %arg4[%add3A_279, %dma_start3A_280] : memref<250x80xi32, #tpu.memory_space<vmem>> -> memref<1x80xi32, #tpu.memory_space<vmem>>
      %dma_start3A_282 = tpu.memref_squeeze %dma_start3A_281 : memref<1x80xi32, #tpu.memory_space<vmem>> -> memref<80xi32, #tpu.memory_space<vmem>>
      %dma_start3A_283 = arith.constant 0 : i32
      %dma_start3A_284 = arith.constant 0 : i32
      %dma_start3A_285 = tpu.memref_slice %arg7[%dma_start3A_283, %dma_start3A_284] : memref<5128x16xf32, #tpu.memory_space<vmem_shared>> -> memref<5128x16xf32, #tpu.memory_space<vmem_shared>>
      tpu.enqueue_indirect_dma source(%arg5 : memref<80x16xf32, #tpu.memory_space<vmem>>) target(%dma_start3A_285 : memref<5128x16xf32, #tpu.memory_space<vmem_shared>>) offsets(%dma_start3A_282 : memref<80xi32, #tpu.memory_space<vmem>>) semaphore(%arg8 : memref<!tpu.dma_semaphore, #tpu.memory_space<semaphore_mem>>)
      %mul3A_286 = arith.constant 25 : i32
      %mul3A_287 = arith.muli %scan3A_45, %mul3A_286 : i32
      %add3A_288 = arith.constant 24 : i32
      %add3A_289 = arith.addi %mul3A_287, %add3A_288 : i32
      %dma_start3A_290 = arith.constant 0 : i32
      %dma_start3A_291 = tpu.memref_slice %arg4[%add3A_289, %dma_start3A_290] : memref<250x80xi32, #tpu.memory_space<vmem>> -> memref<1x80xi32, #tpu.memory_space<vmem>>
      %dma_start3A_292 = tpu.memref_squeeze %dma_start3A_291 : memref<1x80xi32, #tpu.memory_space<vmem>> -> memref<80xi32, #tpu.memory_space<vmem>>
      %dma_start3A_293 = arith.constant 0 : i32
      %dma_start3A_294 = arith.constant 0 : i32
      %dma_start3A_295 = tpu.memref_slice %arg7[%dma_start3A_293, %dma_start3A_294] : memref<5128x16xf32, #tpu.memory_space<vmem_shared>> -> memref<5128x16xf32, #tpu.memory_space<vmem_shared>>
      tpu.enqueue_indirect_dma source(%arg5 : memref<80x16xf32, #tpu.memory_space<vmem>>) target(%dma_start3A_295 : memref<5128x16xf32, #tpu.memory_space<vmem_shared>>) offsets(%dma_start3A_292 : memref<80xi32, #tpu.memory_space<vmem>>) semaphore(%arg8 : memref<!tpu.dma_semaphore, #tpu.memory_space<semaphore_mem>>)
      %dma_wait3A = arith.constant 0 : i32
      %dma_wait3A_296 = arith.constant 0 : i32
      %dma_wait3A_297 = tpu.memref_slice %arg4[%dma_wait3A, %dma_wait3A_296] : memref<250x80xi32, #tpu.memory_space<vmem>> -> memref<1x80xi32, #tpu.memory_space<vmem>>
      %dma_wait3A_298 = tpu.memref_squeeze %dma_wait3A_297 : memref<1x80xi32, #tpu.memory_space<vmem>> -> memref<80xi32, #tpu.memory_space<vmem>>
      %dma_wait3A_299 = arith.constant 0 : i32
      %dma_wait3A_300 = arith.constant 0 : i32
      %dma_wait3A_301 = tpu.memref_slice %arg7[%dma_wait3A_299, %dma_wait3A_300] : memref<5128x16xf32, #tpu.memory_space<vmem_shared>> -> memref<5128x16xf32, #tpu.memory_space<vmem_shared>>
      tpu.wait_indirect_dma semaphore(%arg8 : memref<!tpu.dma_semaphore, #tpu.memory_space<semaphore_mem>>) src(%arg5 : memref<80x16xf32, #tpu.memory_space<vmem>>) dst(%dma_wait3A_301 : memref<5128x16xf32, #tpu.memory_space<vmem_shared>>)
      %dma_wait3A_302 = arith.constant 0 : i32
      %dma_wait3A_303 = arith.constant 0 : i32
      %dma_wait3A_304 = tpu.memref_slice %arg4[%dma_wait3A_302, %dma_wait3A_303] : memref<250x80xi32, #tpu.memory_space<vmem>> -> memref<1x80xi32, #tpu.memory_space<vmem>>
      %dma_wait3A_305 = tpu.memref_squeeze %dma_wait3A_304 : memref<1x80xi32, #tpu.memory_space<vmem>> -> memref<80xi32, #tpu.memory_space<vmem>>
      %dma_wait3A_306 = arith.constant 0 : i32
      %dma_wait3A_307 = arith.constant 0 : i32
      %dma_wait3A_308 = tpu.memref_slice %arg7[%dma_wait3A_306, %dma_wait3A_307] : memref<5128x16xf32, #tpu.memory_space<vmem_shared>> -> memref<5128x16xf32, #tpu.memory_space<vmem_shared>>
      tpu.wait_indirect_dma semaphore(%arg8 : memref<!tpu.dma_semaphore, #tpu.memory_space<semaphore_mem>>) src(%arg5 : memref<80x16xf32, #tpu.memory_space<vmem>>) dst(%dma_wait3A_308 : memref<5128x16xf32, #tpu.memory_space<vmem_shared>>)
      %dma_wait3A_309 = arith.constant 0 : i32
      %dma_wait3A_310 = arith.constant 0 : i32
      %dma_wait3A_311 = tpu.memref_slice %arg4[%dma_wait3A_309, %dma_wait3A_310] : memref<250x80xi32, #tpu.memory_space<vmem>> -> memref<1x80xi32, #tpu.memory_space<vmem>>
      %dma_wait3A_312 = tpu.memref_squeeze %dma_wait3A_311 : memref<1x80xi32, #tpu.memory_space<vmem>> -> memref<80xi32, #tpu.memory_space<vmem>>
      %dma_wait3A_313 = arith.constant 0 : i32
      %dma_wait3A_314 = arith.constant 0 : i32
      %dma_wait3A_315 = tpu.memref_slice %arg7[%dma_wait3A_313, %dma_wait3A_314] : memref<5128x16xf32, #tpu.memory_space<vmem_shared>> -> memref<5128x16xf32, #tpu.memory_space<vmem_shared>>
      tpu.wait_indirect_dma semaphore(%arg8 : memref<!tpu.dma_semaphore, #tpu.memory_space<semaphore_mem>>) src(%arg5 : memref<80x16xf32, #tpu.memory_space<vmem>>) dst(%dma_wait3A_315 : memref<5128x16xf32, #tpu.memory_space<vmem_shared>>)
      %dma_wait3A_316 = arith.constant 0 : i32
      %dma_wait3A_317 = arith.constant 0 : i32
      %dma_wait3A_318 = tpu.memref_slice %arg4[%dma_wait3A_316, %dma_wait3A_317] : memref<250x80xi32, #tpu.memory_space<vmem>> -> memref<1x80xi32, #tpu.memory_space<vmem>>
      %dma_wait3A_319 = tpu.memref_squeeze %dma_wait3A_318 : memref<1x80xi32, #tpu.memory_space<vmem>> -> memref<80xi32, #tpu.memory_space<vmem>>
      %dma_wait3A_320 = arith.constant 0 : i32
      %dma_wait3A_321 = arith.constant 0 : i32
      %dma_wait3A_322 = tpu.memref_slice %arg7[%dma_wait3A_320, %dma_wait3A_321] : memref<5128x16xf32, #tpu.memory_space<vmem_shared>> -> memref<5128x16xf32, #tpu.memory_space<vmem_shared>>
      tpu.wait_indirect_dma semaphore(%arg8 : memref<!tpu.dma_semaphore, #tpu.memory_space<semaphore_mem>>) src(%arg5 : memref<80x16xf32, #tpu.memory_space<vmem>>) dst(%dma_wait3A_322 : memref<5128x16xf32, #tpu.memory_space<vmem_shared>>)
      %dma_wait3A_323 = arith.constant 0 : i32
      %dma_wait3A_324 = arith.constant 0 : i32
      %dma_wait3A_325 = tpu.memref_slice %arg4[%dma_wait3A_323, %dma_wait3A_324] : memref<250x80xi32, #tpu.memory_space<vmem>> -> memref<1x80xi32, #tpu.memory_space<vmem>>
      %dma_wait3A_326 = tpu.memref_squeeze %dma_wait3A_325 : memref<1x80xi32, #tpu.memory_space<vmem>> -> memref<80xi32, #tpu.memory_space<vmem>>
      %dma_wait3A_327 = arith.constant 0 : i32
      %dma_wait3A_328 = arith.constant 0 : i32
      %dma_wait3A_329 = tpu.memref_slice %arg7[%dma_wait3A_327, %dma_wait3A_328] : memref<5128x16xf32, #tpu.memory_space<vmem_shared>> -> memref<5128x16xf32, #tpu.memory_space<vmem_shared>>
      tpu.wait_indirect_dma semaphore(%arg8 : memref<!tpu.dma_semaphore, #tpu.memory_space<semaphore_mem>>) src(%arg5 : memref<80x16xf32, #tpu.memory_space<vmem>>) dst(%dma_wait3A_329 : memref<5128x16xf32, #tpu.memory_space<vmem_shared>>)
      %dma_wait3A_330 = arith.constant 0 : i32
      %dma_wait3A_331 = arith.constant 0 : i32
      %dma_wait3A_332 = tpu.memref_slice %arg4[%dma_wait3A_330, %dma_wait3A_331] : memref<250x80xi32, #tpu.memory_space<vmem>> -> memref<1x80xi32, #tpu.memory_space<vmem>>
      %dma_wait3A_333 = tpu.memref_squeeze %dma_wait3A_332 : memref<1x80xi32, #tpu.memory_space<vmem>> -> memref<80xi32, #tpu.memory_space<vmem>>
      %dma_wait3A_334 = arith.constant 0 : i32
      %dma_wait3A_335 = arith.constant 0 : i32
      %dma_wait3A_336 = tpu.memref_slice %arg7[%dma_wait3A_334, %dma_wait3A_335] : memref<5128x16xf32, #tpu.memory_space<vmem_shared>> -> memref<5128x16xf32, #tpu.memory_space<vmem_shared>>
      tpu.wait_indirect_dma semaphore(%arg8 : memref<!tpu.dma_semaphore, #tpu.memory_space<semaphore_mem>>) src(%arg5 : memref<80x16xf32, #tpu.memory_space<vmem>>) dst(%dma_wait3A_336 : memref<5128x16xf32, #tpu.memory_space<vmem_shared>>)
      %dma_wait3A_337 = arith.constant 0 : i32
      %dma_wait3A_338 = arith.constant 0 : i32
      %dma_wait3A_339 = tpu.memref_slice %arg4[%dma_wait3A_337, %dma_wait3A_338] : memref<250x80xi32, #tpu.memory_space<vmem>> -> memref<1x80xi32, #tpu.memory_space<vmem>>
      %dma_wait3A_340 = tpu.memref_squeeze %dma_wait3A_339 : memref<1x80xi32, #tpu.memory_space<vmem>> -> memref<80xi32, #tpu.memory_space<vmem>>
      %dma_wait3A_341 = arith.constant 0 : i32
      %dma_wait3A_342 = arith.constant 0 : i32
      %dma_wait3A_343 = tpu.memref_slice %arg7[%dma_wait3A_341, %dma_wait3A_342] : memref<5128x16xf32, #tpu.memory_space<vmem_shared>> -> memref<5128x16xf32, #tpu.memory_space<vmem_shared>>
      tpu.wait_indirect_dma semaphore(%arg8 : memref<!tpu.dma_semaphore, #tpu.memory_space<semaphore_mem>>) src(%arg5 : memref<80x16xf32, #tpu.memory_space<vmem>>) dst(%dma_wait3A_343 : memref<5128x16xf32, #tpu.memory_space<vmem_shared>>)
      %dma_wait3A_344 = arith.constant 0 : i32
      %dma_wait3A_345 = arith.constant 0 : i32
      %dma_wait3A_346 = tpu.memref_slice %arg4[%dma_wait3A_344, %dma_wait3A_345] : memref<250x80xi32, #tpu.memory_space<vmem>> -> memref<1x80xi32, #tpu.memory_space<vmem>>
      %dma_wait3A_347 = tpu.memref_squeeze %dma_wait3A_346 : memref<1x80xi32, #tpu.memory_space<vmem>> -> memref<80xi32, #tpu.memory_space<vmem>>
      %dma_wait3A_348 = arith.constant 0 : i32
      %dma_wait3A_349 = arith.constant 0 : i32
      %dma_wait3A_350 = tpu.memref_slice %arg7[%dma_wait3A_348, %dma_wait3A_349] : memref<5128x16xf32, #tpu.memory_space<vmem_shared>> -> memref<5128x16xf32, #tpu.memory_space<vmem_shared>>
      tpu.wait_indirect_dma semaphore(%arg8 : memref<!tpu.dma_semaphore, #tpu.memory_space<semaphore_mem>>) src(%arg5 : memref<80x16xf32, #tpu.memory_space<vmem>>) dst(%dma_wait3A_350 : memref<5128x16xf32, #tpu.memory_space<vmem_shared>>)
      %dma_wait3A_351 = arith.constant 0 : i32
      %dma_wait3A_352 = arith.constant 0 : i32
      %dma_wait3A_353 = tpu.memref_slice %arg4[%dma_wait3A_351, %dma_wait3A_352] : memref<250x80xi32, #tpu.memory_space<vmem>> -> memref<1x80xi32, #tpu.memory_space<vmem>>
      %dma_wait3A_354 = tpu.memref_squeeze %dma_wait3A_353 : memref<1x80xi32, #tpu.memory_space<vmem>> -> memref<80xi32, #tpu.memory_space<vmem>>
      %dma_wait3A_355 = arith.constant 0 : i32
      %dma_wait3A_356 = arith.constant 0 : i32
      %dma_wait3A_357 = tpu.memref_slice %arg7[%dma_wait3A_355, %dma_wait3A_356] : memref<5128x16xf32, #tpu.memory_space<vmem_shared>> -> memref<5128x16xf32, #tpu.memory_space<vmem_shared>>
      tpu.wait_indirect_dma semaphore(%arg8 : memref<!tpu.dma_semaphore, #tpu.memory_space<semaphore_mem>>) src(%arg5 : memref<80x16xf32, #tpu.memory_space<vmem>>) dst(%dma_wait3A_357 : memref<5128x16xf32, #tpu.memory_space<vmem_shared>>)
      %dma_wait3A_358 = arith.constant 0 : i32
      %dma_wait3A_359 = arith.constant 0 : i32
      %dma_wait3A_360 = tpu.memref_slice %arg4[%dma_wait3A_358, %dma_wait3A_359] : memref<250x80xi32, #tpu.memory_space<vmem>> -> memref<1x80xi32, #tpu.memory_space<vmem>>
      %dma_wait3A_361 = tpu.memref_squeeze %dma_wait3A_360 : memref<1x80xi32, #tpu.memory_space<vmem>> -> memref<80xi32, #tpu.memory_space<vmem>>
      %dma_wait3A_362 = arith.constant 0 : i32
      %dma_wait3A_363 = arith.constant 0 : i32
      %dma_wait3A_364 = tpu.memref_slice %arg7[%dma_wait3A_362, %dma_wait3A_363] : memref<5128x16xf32, #tpu.memory_space<vmem_shared>> -> memref<5128x16xf32, #tpu.memory_space<vmem_shared>>
      tpu.wait_indirect_dma semaphore(%arg8 : memref<!tpu.dma_semaphore, #tpu.memory_space<semaphore_mem>>) src(%arg5 : memref<80x16xf32, #tpu.memory_space<vmem>>) dst(%dma_wait3A_364 : memref<5128x16xf32, #tpu.memory_space<vmem_shared>>)
      %dma_wait3A_365 = arith.constant 0 : i32
      %dma_wait3A_366 = arith.constant 0 : i32
      %dma_wait3A_367 = tpu.memref_slice %arg4[%dma_wait3A_365, %dma_wait3A_366] : memref<250x80xi32, #tpu.memory_space<vmem>> -> memref<1x80xi32, #tpu.memory_space<vmem>>
      %dma_wait3A_368 = tpu.memref_squeeze %dma_wait3A_367 : memref<1x80xi32, #tpu.memory_space<vmem>> -> memref<80xi32, #tpu.memory_space<vmem>>
      %dma_wait3A_369 = arith.constant 0 : i32
      %dma_wait3A_370 = arith.constant 0 : i32
      %dma_wait3A_371 = tpu.memref_slice %arg7[%dma_wait3A_369, %dma_wait3A_370] : memref<5128x16xf32, #tpu.memory_space<vmem_shared>> -> memref<5128x16xf32, #tpu.memory_space<vmem_shared>>
      tpu.wait_indirect_dma semaphore(%arg8 : memref<!tpu.dma_semaphore, #tpu.memory_space<semaphore_mem>>) src(%arg5 : memref<80x16xf32, #tpu.memory_space<vmem>>) dst(%dma_wait3A_371 : memref<5128x16xf32, #tpu.memory_space<vmem_shared>>)
      %dma_wait3A_372 = arith.constant 0 : i32
      %dma_wait3A_373 = arith.constant 0 : i32
      %dma_wait3A_374 = tpu.memref_slice %arg4[%dma_wait3A_372, %dma_wait3A_373] : memref<250x80xi32, #tpu.memory_space<vmem>> -> memref<1x80xi32, #tpu.memory_space<vmem>>
      %dma_wait3A_375 = tpu.memref_squeeze %dma_wait3A_374 : memref<1x80xi32, #tpu.memory_space<vmem>> -> memref<80xi32, #tpu.memory_space<vmem>>
      %dma_wait3A_376 = arith.constant 0 : i32
      %dma_wait3A_377 = arith.constant 0 : i32
      %dma_wait3A_378 = tpu.memref_slice %arg7[%dma_wait3A_376, %dma_wait3A_377] : memref<5128x16xf32, #tpu.memory_space<vmem_shared>> -> memref<5128x16xf32, #tpu.memory_space<vmem_shared>>
      tpu.wait_indirect_dma semaphore(%arg8 : memref<!tpu.dma_semaphore, #tpu.memory_space<semaphore_mem>>) src(%arg5 : memref<80x16xf32, #tpu.memory_space<vmem>>) dst(%dma_wait3A_378 : memref<5128x16xf32, #tpu.memory_space<vmem_shared>>)
      %dma_wait3A_379 = arith.constant 0 : i32
      %dma_wait3A_380 = arith.constant 0 : i32
      %dma_wait3A_381 = tpu.memref_slice %arg4[%dma_wait3A_379, %dma_wait3A_380] : memref<250x80xi32, #tpu.memory_space<vmem>> -> memref<1x80xi32, #tpu.memory_space<vmem>>
      %dma_wait3A_382 = tpu.memref_squeeze %dma_wait3A_381 : memref<1x80xi32, #tpu.memory_space<vmem>> -> memref<80xi32, #tpu.memory_space<vmem>>
      %dma_wait3A_383 = arith.constant 0 : i32
      %dma_wait3A_384 = arith.constant 0 : i32
      %dma_wait3A_385 = tpu.memref_slice %arg7[%dma_wait3A_383, %dma_wait3A_384] : memref<5128x16xf32, #tpu.memory_space<vmem_shared>> -> memref<5128x16xf32, #tpu.memory_space<vmem_shared>>
      tpu.wait_indirect_dma semaphore(%arg8 : memref<!tpu.dma_semaphore, #tpu.memory_space<semaphore_mem>>) src(%arg5 : memref<80x16xf32, #tpu.memory_space<vmem>>) dst(%dma_wait3A_385 : memref<5128x16xf32, #tpu.memory_space<vmem_shared>>)
      %dma_wait3A_386 = arith.constant 0 : i32
      %dma_wait3A_387 = arith.constant 0 : i32
      %dma_wait3A_388 = tpu.memref_slice %arg4[%dma_wait3A_386, %dma_wait3A_387] : memref<250x80xi32, #tpu.memory_space<vmem>> -> memref<1x80xi32, #tpu.memory_space<vmem>>
      %dma_wait3A_389 = tpu.memref_squeeze %dma_wait3A_388 : memref<1x80xi32, #tpu.memory_space<vmem>> -> memref<80xi32, #tpu.memory_space<vmem>>
      %dma_wait3A_390 = arith.constant 0 : i32
      %dma_wait3A_391 = arith.constant 0 : i32
      %dma_wait3A_392 = tpu.memref_slice %arg7[%dma_wait3A_390, %dma_wait3A_391] : memref<5128x16xf32, #tpu.memory_space<vmem_shared>> -> memref<5128x16xf32, #tpu.memory_space<vmem_shared>>
      tpu.wait_indirect_dma semaphore(%arg8 : memref<!tpu.dma_semaphore, #tpu.memory_space<semaphore_mem>>) src(%arg5 : memref<80x16xf32, #tpu.memory_space<vmem>>) dst(%dma_wait3A_392 : memref<5128x16xf32, #tpu.memory_space<vmem_shared>>)
      %dma_wait3A_393 = arith.constant 0 : i32
      %dma_wait3A_394 = arith.constant 0 : i32
      %dma_wait3A_395 = tpu.memref_slice %arg4[%dma_wait3A_393, %dma_wait3A_394] : memref<250x80xi32, #tpu.memory_space<vmem>> -> memref<1x80xi32, #tpu.memory_space<vmem>>
      %dma_wait3A_396 = tpu.memref_squeeze %dma_wait3A_395 : memref<1x80xi32, #tpu.memory_space<vmem>> -> memref<80xi32, #tpu.memory_space<vmem>>
      %dma_wait3A_397 = arith.constant 0 : i32
      %dma_wait3A_398 = arith.constant 0 : i32
      %dma_wait3A_399 = tpu.memref_slice %arg7[%dma_wait3A_397, %dma_wait3A_398] : memref<5128x16xf32, #tpu.memory_space<vmem_shared>> -> memref<5128x16xf32, #tpu.memory_space<vmem_shared>>
      tpu.wait_indirect_dma semaphore(%arg8 : memref<!tpu.dma_semaphore, #tpu.memory_space<semaphore_mem>>) src(%arg5 : memref<80x16xf32, #tpu.memory_space<vmem>>) dst(%dma_wait3A_399 : memref<5128x16xf32, #tpu.memory_space<vmem_shared>>)
      %dma_wait3A_400 = arith.constant 0 : i32
      %dma_wait3A_401 = arith.constant 0 : i32
      %dma_wait3A_402 = tpu.memref_slice %arg4[%dma_wait3A_400, %dma_wait3A_401] : memref<250x80xi32, #tpu.memory_space<vmem>> -> memref<1x80xi32, #tpu.memory_space<vmem>>
      %dma_wait3A_403 = tpu.memref_squeeze %dma_wait3A_402 : memref<1x80xi32, #tpu.memory_space<vmem>> -> memref<80xi32, #tpu.memory_space<vmem>>
      %dma_wait3A_404 = arith.constant 0 : i32
      %dma_wait3A_405 = arith.constant 0 : i32
      %dma_wait3A_406 = tpu.memref_slice %arg7[%dma_wait3A_404, %dma_wait3A_405] : memref<5128x16xf32, #tpu.memory_space<vmem_shared>> -> memref<5128x16xf32, #tpu.memory_space<vmem_shared>>
      tpu.wait_indirect_dma semaphore(%arg8 : memref<!tpu.dma_semaphore, #tpu.memory_space<semaphore_mem>>) src(%arg5 : memref<80x16xf32, #tpu.memory_space<vmem>>) dst(%dma_wait3A_406 : memref<5128x16xf32, #tpu.memory_space<vmem_shared>>)
      %dma_wait3A_407 = arith.constant 0 : i32
      %dma_wait3A_408 = arith.constant 0 : i32
      %dma_wait3A_409 = tpu.memref_slice %arg4[%dma_wait3A_407, %dma_wait3A_408] : memref<250x80xi32, #tpu.memory_space<vmem>> -> memref<1x80xi32, #tpu.memory_space<vmem>>
      %dma_wait3A_410 = tpu.memref_squeeze %dma_wait3A_409 : memref<1x80xi32, #tpu.memory_space<vmem>> -> memref<80xi32, #tpu.memory_space<vmem>>
      %dma_wait3A_411 = arith.constant 0 : i32
      %dma_wait3A_412 = arith.constant 0 : i32
      %dma_wait3A_413 = tpu.memref_slice %arg7[%dma_wait3A_411, %dma_wait3A_412] : memref<5128x16xf32, #tpu.memory_space<vmem_shared>> -> memref<5128x16xf32, #tpu.memory_space<vmem_shared>>
      tpu.wait_indirect_dma semaphore(%arg8 : memref<!tpu.dma_semaphore, #tpu.memory_space<semaphore_mem>>) src(%arg5 : memref<80x16xf32, #tpu.memory_space<vmem>>) dst(%dma_wait3A_413 : memref<5128x16xf32, #tpu.memory_space<vmem_shared>>)
      %dma_wait3A_414 = arith.constant 0 : i32
      %dma_wait3A_415 = arith.constant 0 : i32
      %dma_wait3A_416 = tpu.memref_slice %arg4[%dma_wait3A_414, %dma_wait3A_415] : memref<250x80xi32, #tpu.memory_space<vmem>> -> memref<1x80xi32, #tpu.memory_space<vmem>>
      %dma_wait3A_417 = tpu.memref_squeeze %dma_wait3A_416 : memref<1x80xi32, #tpu.memory_space<vmem>> -> memref<80xi32, #tpu.memory_space<vmem>>
      %dma_wait3A_418 = arith.constant 0 : i32
      %dma_wait3A_419 = arith.constant 0 : i32
      %dma_wait3A_420 = tpu.memref_slice %arg7[%dma_wait3A_418, %dma_wait3A_419] : memref<5128x16xf32, #tpu.memory_space<vmem_shared>> -> memref<5128x16xf32, #tpu.memory_space<vmem_shared>>
      tpu.wait_indirect_dma semaphore(%arg8 : memref<!tpu.dma_semaphore, #tpu.memory_space<semaphore_mem>>) src(%arg5 : memref<80x16xf32, #tpu.memory_space<vmem>>) dst(%dma_wait3A_420 : memref<5128x16xf32, #tpu.memory_space<vmem_shared>>)
      %dma_wait3A_421 = arith.constant 0 : i32
      %dma_wait3A_422 = arith.constant 0 : i32
      %dma_wait3A_423 = tpu.memref_slice %arg4[%dma_wait3A_421, %dma_wait3A_422] : memref<250x80xi32, #tpu.memory_space<vmem>> -> memref<1x80xi32, #tpu.memory_space<vmem>>
      %dma_wait3A_424 = tpu.memref_squeeze %dma_wait3A_423 : memref<1x80xi32, #tpu.memory_space<vmem>> -> memref<80xi32, #tpu.memory_space<vmem>>
      %dma_wait3A_425 = arith.constant 0 : i32
      %dma_wait3A_426 = arith.constant 0 : i32
      %dma_wait3A_427 = tpu.memref_slice %arg7[%dma_wait3A_425, %dma_wait3A_426] : memref<5128x16xf32, #tpu.memory_space<vmem_shared>> -> memref<5128x16xf32, #tpu.memory_space<vmem_shared>>
      tpu.wait_indirect_dma semaphore(%arg8 : memref<!tpu.dma_semaphore, #tpu.memory_space<semaphore_mem>>) src(%arg5 : memref<80x16xf32, #tpu.memory_space<vmem>>) dst(%dma_wait3A_427 : memref<5128x16xf32, #tpu.memory_space<vmem_shared>>)
      %dma_wait3A_428 = arith.constant 0 : i32
      %dma_wait3A_429 = arith.constant 0 : i32
      %dma_wait3A_430 = tpu.memref_slice %arg4[%dma_wait3A_428, %dma_wait3A_429] : memref<250x80xi32, #tpu.memory_space<vmem>> -> memref<1x80xi32, #tpu.memory_space<vmem>>
      %dma_wait3A_431 = tpu.memref_squeeze %dma_wait3A_430 : memref<1x80xi32, #tpu.memory_space<vmem>> -> memref<80xi32, #tpu.memory_space<vmem>>
      %dma_wait3A_432 = arith.constant 0 : i32
      %dma_wait3A_433 = arith.constant 0 : i32
      %dma_wait3A_434 = tpu.memref_slice %arg7[%dma_wait3A_432, %dma_wait3A_433] : memref<5128x16xf32, #tpu.memory_space<vmem_shared>> -> memref<5128x16xf32, #tpu.memory_space<vmem_shared>>
      tpu.wait_indirect_dma semaphore(%arg8 : memref<!tpu.dma_semaphore, #tpu.memory_space<semaphore_mem>>) src(%arg5 : memref<80x16xf32, #tpu.memory_space<vmem>>) dst(%dma_wait3A_434 : memref<5128x16xf32, #tpu.memory_space<vmem_shared>>)
      %dma_wait3A_435 = arith.constant 0 : i32
      %dma_wait3A_436 = arith.constant 0 : i32
      %dma_wait3A_437 = tpu.memref_slice %arg4[%dma_wait3A_435, %dma_wait3A_436] : memref<250x80xi32, #tpu.memory_space<vmem>> -> memref<1x80xi32, #tpu.memory_space<vmem>>
      %dma_wait3A_438 = tpu.memref_squeeze %dma_wait3A_437 : memref<1x80xi32, #tpu.memory_space<vmem>> -> memref<80xi32, #tpu.memory_space<vmem>>
      %dma_wait3A_439 = arith.constant 0 : i32
      %dma_wait3A_440 = arith.constant 0 : i32
      %dma_wait3A_441 = tpu.memref_slice %arg7[%dma_wait3A_439, %dma_wait3A_440] : memref<5128x16xf32, #tpu.memory_space<vmem_shared>> -> memref<5128x16xf32, #tpu.memory_space<vmem_shared>>
      tpu.wait_indirect_dma semaphore(%arg8 : memref<!tpu.dma_semaphore, #tpu.memory_space<semaphore_mem>>) src(%arg5 : memref<80x16xf32, #tpu.memory_space<vmem>>) dst(%dma_wait3A_441 : memref<5128x16xf32, #tpu.memory_space<vmem_shared>>)
      %dma_wait3A_442 = arith.constant 0 : i32
      %dma_wait3A_443 = arith.constant 0 : i32
      %dma_wait3A_444 = tpu.memref_slice %arg4[%dma_wait3A_442, %dma_wait3A_443] : memref<250x80xi32, #tpu.memory_space<vmem>> -> memref<1x80xi32, #tpu.memory_space<vmem>>
      %dma_wait3A_445 = tpu.memref_squeeze %dma_wait3A_444 : memref<1x80xi32, #tpu.memory_space<vmem>> -> memref<80xi32, #tpu.memory_space<vmem>>
      %dma_wait3A_446 = arith.constant 0 : i32
      %dma_wait3A_447 = arith.constant 0 : i32
      %dma_wait3A_448 = tpu.memref_slice %arg7[%dma_wait3A_446, %dma_wait3A_447] : memref<5128x16xf32, #tpu.memory_space<vmem_shared>> -> memref<5128x16xf32, #tpu.memory_space<vmem_shared>>
      tpu.wait_indirect_dma semaphore(%arg8 : memref<!tpu.dma_semaphore, #tpu.memory_space<semaphore_mem>>) src(%arg5 : memref<80x16xf32, #tpu.memory_space<vmem>>) dst(%dma_wait3A_448 : memref<5128x16xf32, #tpu.memory_space<vmem_shared>>)
      %dma_wait3A_449 = arith.constant 0 : i32
      %dma_wait3A_450 = arith.constant 0 : i32
      %dma_wait3A_451 = tpu.memref_slice %arg4[%dma_wait3A_449, %dma_wait3A_450] : memref<250x80xi32, #tpu.memory_space<vmem>> -> memref<1x80xi32, #tpu.memory_space<vmem>>
      %dma_wait3A_452 = tpu.memref_squeeze %dma_wait3A_451 : memref<1x80xi32, #tpu.memory_space<vmem>> -> memref<80xi32, #tpu.memory_space<vmem>>
      %dma_wait3A_453 = arith.constant 0 : i32
      %dma_wait3A_454 = arith.constant 0 : i32
      %dma_wait3A_455 = tpu.memref_slice %arg7[%dma_wait3A_453, %dma_wait3A_454] : memref<5128x16xf32, #tpu.memory_space<vmem_shared>> -> memref<5128x16xf32, #tpu.memory_space<vmem_shared>>
      tpu.wait_indirect_dma semaphore(%arg8 : memref<!tpu.dma_semaphore, #tpu.memory_space<semaphore_mem>>) src(%arg5 : memref<80x16xf32, #tpu.memory_space<vmem>>) dst(%dma_wait3A_455 : memref<5128x16xf32, #tpu.memory_space<vmem_shared>>)
      %dma_wait3A_456 = arith.constant 0 : i32
      %dma_wait3A_457 = arith.constant 0 : i32
      %dma_wait3A_458 = tpu.memref_slice %arg4[%dma_wait3A_456, %dma_wait3A_457] : memref<250x80xi32, #tpu.memory_space<vmem>> -> memref<1x80xi32, #tpu.memory_space<vmem>>
      %dma_wait3A_459 = tpu.memref_squeeze %dma_wait3A_458 : memref<1x80xi32, #tpu.memory_space<vmem>> -> memref<80xi32, #tpu.memory_space<vmem>>
      %dma_wait3A_460 = arith.constant 0 : i32
      %dma_wait3A_461 = arith.constant 0 : i32
      %dma_wait3A_462 = tpu.memref_slice %arg7[%dma_wait3A_460, %dma_wait3A_461] : memref<5128x16xf32, #tpu.memory_space<vmem_shared>> -> memref<5128x16xf32, #tpu.memory_space<vmem_shared>>
      tpu.wait_indirect_dma semaphore(%arg8 : memref<!tpu.dma_semaphore, #tpu.memory_space<semaphore_mem>>) src(%arg5 : memref<80x16xf32, #tpu.memory_space<vmem>>) dst(%dma_wait3A_462 : memref<5128x16xf32, #tpu.memory_space<vmem_shared>>)
      %dma_wait3A_463 = arith.constant 0 : i32
      %dma_wait3A_464 = arith.constant 0 : i32
      %dma_wait3A_465 = tpu.memref_slice %arg4[%dma_wait3A_463, %dma_wait3A_464] : memref<250x80xi32, #tpu.memory_space<vmem>> -> memref<1x80xi32, #tpu.memory_space<vmem>>
      %dma_wait3A_466 = tpu.memref_squeeze %dma_wait3A_465 : memref<1x80xi32, #tpu.memory_space<vmem>> -> memref<80xi32, #tpu.memory_space<vmem>>
      %dma_wait3A_467 = arith.constant 0 : i32
      %dma_wait3A_468 = arith.constant 0 : i32
      %dma_wait3A_469 = tpu.memref_slice %arg7[%dma_wait3A_467, %dma_wait3A_468] : memref<5128x16xf32, #tpu.memory_space<vmem_shared>> -> memref<5128x16xf32, #tpu.memory_space<vmem_shared>>
      tpu.wait_indirect_dma semaphore(%arg8 : memref<!tpu.dma_semaphore, #tpu.memory_space<semaphore_mem>>) src(%arg5 : memref<80x16xf32, #tpu.memory_space<vmem>>) dst(%dma_wait3A_469 : memref<5128x16xf32, #tpu.memory_space<vmem_shared>>)
      %scan3A_470 = arith.constant 0 : i32
      scf.yield %scan3A_470 : i32
    }
    %scan3A_39 = arith.constant 10 : i32
    %barrier3A_40 = arith.constant 0 : index
    tpu.barrier barrier_id(%barrier3A_40)
    %mul3A_41 = arith.constant 320 : i32
    %mul3A_42 = arith.muli %arg1, %mul3A_41 : i32
    %mul3A_43 = arith.constant 320 : i32
    %mul3A_44 = arith.muli %arg1, %mul3A_43 : i32
    "tpu.region"() ({
      %run_scoped3A = tpu.sem_alloc : memref<!tpu.dma_semaphore, #tpu.memory_space<semaphore_mem>>
      %dma_start3A = arith.constant 0 : i32
      %dma_start3A_45 = tpu.memref_slice %arg3[%arg0, %mul3A_44, %dma_start3A] : memref<2x5120x16xf32, #tpu.memory_space<hbm>> -> memref<1x320x16xf32, #tpu.memory_space<hbm>>
      %dma_start3A_46 = tpu.memref_squeeze %dma_start3A_45 : memref<1x320x16xf32, #tpu.memory_space<hbm>> -> memref<320x16xf32, #tpu.memory_space<hbm>>
      %dma_start3A_47 = arith.constant 0 : i32
      %dma_start3A_48 = tpu.memref_slice %arg7[%mul3A_42, %dma_start3A_47] : memref<5128x16xf32, #tpu.memory_space<vmem_shared>> -> memref<320x16xf32, #tpu.memory_space<vmem_shared>>
      tpu.enqueue_dma source(%dma_start3A_48 : memref<320x16xf32, #tpu.memory_space<vmem_shared>>) target(%dma_start3A_46 : memref<320x16xf32, #tpu.memory_space<hbm>>) target_semaphore(%run_scoped3A : memref<!tpu.dma_semaphore, #tpu.memory_space<semaphore_mem>>)
      %dma_wait3A = arith.constant 0 : i32
      %dma_wait3A_49 = tpu.memref_slice %arg3[%arg0, %mul3A_44, %dma_wait3A] : memref<2x5120x16xf32, #tpu.memory_space<hbm>> -> memref<1x320x16xf32, #tpu.memory_space<hbm>>
      %dma_wait3A_50 = tpu.memref_squeeze %dma_wait3A_49 : memref<1x320x16xf32, #tpu.memory_space<hbm>> -> memref<320x16xf32, #tpu.memory_space<hbm>>
      %dma_wait3A_51 = arith.constant 0 : i32
      %dma_wait3A_52 = tpu.memref_slice %arg7[%mul3A_42, %dma_wait3A_51] : memref<5128x16xf32, #tpu.memory_space<vmem_shared>> -> memref<320x16xf32, #tpu.memory_space<vmem_shared>>
      tpu.wait_dma2 semaphore(%run_scoped3A : memref<!tpu.dma_semaphore, #tpu.memory_space<semaphore_mem>>) src(%dma_wait3A_52 : memref<320x16xf32, #tpu.memory_space<vmem_shared>>) dst(%dma_wait3A_50 : memref<320x16xf32, #tpu.memory_space<hbm>>)
      tpu.yield
    }) : () -> ()
    return
  }
}

#map = affine_map<(d0, d1) -> (0, 0)>
#map1 = affine_map<(d0, d1) -> (0, 0, 0)>
module attributes {stable_mosaic.version = 14 : i64} {
  func.func @_sc_scatter(%arg0: i32, %arg1: i32, %arg2: memref<320000x128xf32, #tpu.memory_space<hbm>>, %arg3: memref<16x250x80xi32, #tpu.memory_space<hbm>>, %arg4: memref<2x5120x128xf32, #tpu.memory_space<hbm>>, %arg5: memref<250x80xi32, #tpu.memory_space<vmem>>, %arg6: memref<2x80x128xf32, #tpu.memory_space<vmem>>, %arg7: memref<160x128xf32, #tpu.memory_space<vmem>>, %arg8: memref<5128x128xf32, #tpu.memory_space<vmem_shared>>, %arg9: memref<!tpu.dma_semaphore, #tpu.memory_space<semaphore_mem>>, %arg10: memref<!tpu.dma_semaphore, #tpu.memory_space<semaphore_mem>>) attributes {dimension_semantics = [#tpu.dimension_semantics<core_parallel>, #tpu.dimension_semantics<subcore_parallel>], iteration_bounds = array<i64: 2, 16>, scalar_prefetch = 0 : i64, scratch_operands = 6 : i64, tpu.core_type = #tpu.core_type<sc_vector_subcore>, window_params = [{transform_indices = #map}, {transform_indices = #map1}, {transform_indices = #map1}]} {
    %broadcast_in_dim3A = arith.constant 0.000000e+00 : f32
    %broadcast_in_dim3A_0 = vector.broadcast %broadcast_in_dim3A : f32 to vector<16xf32>
    %scan3A = arith.constant 0 : i32
    %scan3A_1 = arith.constant 0 : i32
    %scan3A_2 = arith.constant 160 : i32
    %scan3A_3 = arith.addi %scan3A_1, %scan3A_2 : i32
    %scan3A_4 = arith.constant 1 : i32
    %scan3A_5 = scf.for %scan3A_67 = %scan3A_1 to %scan3A_3 step %scan3A_4 iter_args(%scan3A_68 = %scan3A) -> (i32)  : i32 {
      %swap3A = arith.index_cast %scan3A_67 : i32 to index
      %swap3A_69 = arith.constant 0 : index
      %swap3A_70 = tpu.vector_load %arg7[%swap3A, %swap3A_69] {strides = array<i32>} : memref<160x128xf32, #tpu.memory_space<vmem>>, vector<1x16xf32>,
      %swap3A_71 = vector.shape_cast %swap3A_70 : vector<1x16xf32> to vector<16xf32>
      %swap3A_72 = vector.shape_cast %broadcast_in_dim3A_0 : vector<16xf32> to vector<1x16xf32>
      tpu.vector_store %arg7[%swap3A, %swap3A_69], %swap3A_72 {strides = array<i32>} : memref<160x128xf32, #tpu.memory_space<vmem>>, vector<1x16xf32>,
      %swap3A_73 = arith.index_cast %scan3A_67 : i32 to index
      %swap3A_74 = arith.constant 16 : index
      %swap3A_75 = tpu.vector_load %arg7[%swap3A_73, %swap3A_74] {strides = array<i32>} : memref<160x128xf32, #tpu.memory_space<vmem>>, vector<1x16xf32>,
      %swap3A_76 = vector.shape_cast %swap3A_75 : vector<1x16xf32> to vector<16xf32>
      %swap3A_77 = vector.shape_cast %broadcast_in_dim3A_0 : vector<16xf32> to vector<1x16xf32>
      tpu.vector_store %arg7[%swap3A_73, %swap3A_74], %swap3A_77 {strides = array<i32>} : memref<160x128xf32, #tpu.memory_space<vmem>>, vector<1x16xf32>,
      %swap3A_78 = arith.index_cast %scan3A_67 : i32 to index
      %swap3A_79 = arith.constant 32 : index
      %swap3A_80 = tpu.vector_load %arg7[%swap3A_78, %swap3A_79] {strides = array<i32>} : memref<160x128xf32, #tpu.memory_space<vmem>>, vector<1x16xf32>,
      %swap3A_81 = vector.shape_cast %swap3A_80 : vector<1x16xf32> to vector<16xf32>
      %swap3A_82 = vector.shape_cast %broadcast_in_dim3A_0 : vector<16xf32> to vector<1x16xf32>
      tpu.vector_store %arg7[%swap3A_78, %swap3A_79], %swap3A_82 {strides = array<i32>} : memref<160x128xf32, #tpu.memory_space<vmem>>, vector<1x16xf32>,
      %swap3A_83 = arith.index_cast %scan3A_67 : i32 to index
      %swap3A_84 = arith.constant 48 : index
      %swap3A_85 = tpu.vector_load %arg7[%swap3A_83, %swap3A_84] {strides = array<i32>} : memref<160x128xf32, #tpu.memory_space<vmem>>, vector<1x16xf32>,
      %swap3A_86 = vector.shape_cast %swap3A_85 : vector<1x16xf32> to vector<16xf32>
      %swap3A_87 = vector.shape_cast %broadcast_in_dim3A_0 : vector<16xf32> to vector<1x16xf32>
      tpu.vector_store %arg7[%swap3A_83, %swap3A_84], %swap3A_87 {strides = array<i32>} : memref<160x128xf32, #tpu.memory_space<vmem>>, vector<1x16xf32>,
      %swap3A_88 = arith.index_cast %scan3A_67 : i32 to index
      %swap3A_89 = arith.constant 64 : index
      %swap3A_90 = tpu.vector_load %arg7[%swap3A_88, %swap3A_89] {strides = array<i32>} : memref<160x128xf32, #tpu.memory_space<vmem>>, vector<1x16xf32>,
      %swap3A_91 = vector.shape_cast %swap3A_90 : vector<1x16xf32> to vector<16xf32>
      %swap3A_92 = vector.shape_cast %broadcast_in_dim3A_0 : vector<16xf32> to vector<1x16xf32>
      tpu.vector_store %arg7[%swap3A_88, %swap3A_89], %swap3A_92 {strides = array<i32>} : memref<160x128xf32, #tpu.memory_space<vmem>>, vector<1x16xf32>,
      %swap3A_93 = arith.index_cast %scan3A_67 : i32 to index
      %swap3A_94 = arith.constant 80 : index
      %swap3A_95 = tpu.vector_load %arg7[%swap3A_93, %swap3A_94] {strides = array<i32>} : memref<160x128xf32, #tpu.memory_space<vmem>>, vector<1x16xf32>,
      %swap3A_96 = vector.shape_cast %swap3A_95 : vector<1x16xf32> to vector<16xf32>
      %swap3A_97 = vector.shape_cast %broadcast_in_dim3A_0 : vector<16xf32> to vector<1x16xf32>
      tpu.vector_store %arg7[%swap3A_93, %swap3A_94], %swap3A_97 {strides = array<i32>} : memref<160x128xf32, #tpu.memory_space<vmem>>, vector<1x16xf32>,
      %swap3A_98 = arith.index_cast %scan3A_67 : i32 to index
      %swap3A_99 = arith.constant 96 : index
      %swap3A_100 = tpu.vector_load %arg7[%swap3A_98, %swap3A_99] {strides = array<i32>} : memref<160x128xf32, #tpu.memory_space<vmem>>, vector<1x16xf32>,
      %swap3A_101 = vector.shape_cast %swap3A_100 : vector<1x16xf32> to vector<16xf32>
      %swap3A_102 = vector.shape_cast %broadcast_in_dim3A_0 : vector<16xf32> to vector<1x16xf32>
      tpu.vector_store %arg7[%swap3A_98, %swap3A_99], %swap3A_102 {strides = array<i32>} : memref<160x128xf32, #tpu.memory_space<vmem>>, vector<1x16xf32>,
      %swap3A_103 = arith.index_cast %scan3A_67 : i32 to index
      %swap3A_104 = arith.constant 112 : index
      %swap3A_105 = tpu.vector_load %arg7[%swap3A_103, %swap3A_104] {strides = array<i32>} : memref<160x128xf32, #tpu.memory_space<vmem>>, vector<1x16xf32>,
      %swap3A_106 = vector.shape_cast %swap3A_105 : vector<1x16xf32> to vector<16xf32>
      %swap3A_107 = vector.shape_cast %broadcast_in_dim3A_0 : vector<16xf32> to vector<1x16xf32>
      tpu.vector_store %arg7[%swap3A_103, %swap3A_104], %swap3A_107 {strides = array<i32>} : memref<160x128xf32, #tpu.memory_space<vmem>>, vector<1x16xf32>,
      %scan3A_108 = arith.constant 0 : i32
      scf.yield %scan3A_108 : i32
    }
    %scan3A_6 = arith.constant 160 : i32
    %mul3A = arith.constant 320 : i32
    %mul3A_7 = arith.muli %arg1, %mul3A : i32
    %add3A = arith.constant 0 : i32
    %add3A_8 = arith.addi %mul3A_7, %add3A : i32
    "tpu.region"() ({
      %run_scoped3A = tpu.sem_alloc : memref<!tpu.dma_semaphore, #tpu.memory_space<semaphore_mem>>
      %dma_start3A_67 = arith.constant 0 : i32
      %dma_start3A_68 = tpu.memref_slice %arg8[%add3A_8, %dma_start3A_67] : memref<5128x128xf32, #tpu.memory_space<vmem_shared>> -> memref<160x128xf32, #tpu.memory_space<vmem_shared>>
      %dma_start3A_69 = arith.constant 0 : i32
      %dma_start3A_70 = tpu.memref_slice %arg8[%add3A_8, %dma_start3A_69] : memref<5128x128xf32, #tpu.memory_space<vmem_shared>> -> memref<160x128xf32, #tpu.memory_space<vmem_shared>>
      tpu.enqueue_dma source(%arg7 : memref<160x128xf32, #tpu.memory_space<vmem>>) target(%dma_start3A_70 : memref<160x128xf32, #tpu.memory_space<vmem_shared>>) target_semaphore(%run_scoped3A : memref<!tpu.dma_semaphore, #tpu.memory_space<semaphore_mem>>)
      %dma_wait3A = arith.constant 0 : i32
      %dma_wait3A_71 = tpu.memref_slice %arg8[%add3A_8, %dma_wait3A] : memref<5128x128xf32, #tpu.memory_space<vmem_shared>> -> memref<160x128xf32, #tpu.memory_space<vmem_shared>>
      %dma_wait3A_72 = arith.constant 0 : i32
      %dma_wait3A_73 = tpu.memref_slice %arg8[%add3A_8, %dma_wait3A_72] : memref<5128x128xf32, #tpu.memory_space<vmem_shared>> -> memref<160x128xf32, #tpu.memory_space<vmem_shared>>
      tpu.wait_dma2 semaphore(%run_scoped3A : memref<!tpu.dma_semaphore, #tpu.memory_space<semaphore_mem>>) src(%arg7 : memref<160x128xf32, #tpu.memory_space<vmem>>) dst(%dma_wait3A_73 : memref<160x128xf32, #tpu.memory_space<vmem_shared>>)
      tpu.yield
    }) : () -> ()
    %mul3A_9 = arith.constant 320 : i32
    %mul3A_10 = arith.muli %arg1, %mul3A_9 : i32
    %add3A_11 = arith.constant 160 : i32
    %add3A_12 = arith.addi %mul3A_10, %add3A_11 : i32
    "tpu.region"() ({
      %run_scoped3A = tpu.sem_alloc : memref<!tpu.dma_semaphore, #tpu.memory_space<semaphore_mem>>
      %dma_start3A_67 = arith.constant 0 : i32
      %dma_start3A_68 = tpu.memref_slice %arg8[%add3A_12, %dma_start3A_67] : memref<5128x128xf32, #tpu.memory_space<vmem_shared>> -> memref<160x128xf32, #tpu.memory_space<vmem_shared>>
      %dma_start3A_69 = arith.constant 0 : i32
      %dma_start3A_70 = tpu.memref_slice %arg8[%add3A_12, %dma_start3A_69] : memref<5128x128xf32, #tpu.memory_space<vmem_shared>> -> memref<160x128xf32, #tpu.memory_space<vmem_shared>>
      tpu.enqueue_dma source(%arg7 : memref<160x128xf32, #tpu.memory_space<vmem>>) target(%dma_start3A_70 : memref<160x128xf32, #tpu.memory_space<vmem_shared>>) target_semaphore(%run_scoped3A : memref<!tpu.dma_semaphore, #tpu.memory_space<semaphore_mem>>)
      %dma_wait3A = arith.constant 0 : i32
      %dma_wait3A_71 = tpu.memref_slice %arg8[%add3A_12, %dma_wait3A] : memref<5128x128xf32, #tpu.memory_space<vmem_shared>> -> memref<160x128xf32, #tpu.memory_space<vmem_shared>>
      %dma_wait3A_72 = arith.constant 0 : i32
      %dma_wait3A_73 = tpu.memref_slice %arg8[%add3A_12, %dma_wait3A_72] : memref<5128x128xf32, #tpu.memory_space<vmem_shared>> -> memref<160x128xf32, #tpu.memory_space<vmem_shared>>
      tpu.wait_dma2 semaphore(%run_scoped3A : memref<!tpu.dma_semaphore, #tpu.memory_space<semaphore_mem>>) src(%arg7 : memref<160x128xf32, #tpu.memory_space<vmem>>) dst(%dma_wait3A_73 : memref<160x128xf32, #tpu.memory_space<vmem_shared>>)
      tpu.yield
    }) : () -> ()
    %eq3A = arith.constant 0 : i32
    %eq3A_13 = arith.cmpi eq, %arg1, %eq3A : i32
    %convert_element_type3A = arith.extui %eq3A_13 : i1 to i32
    %cond3A = arith.constant 0 : i32
    %cond3A_14 = arith.cmpi ne, %convert_element_type3A, %cond3A : i32
    scf.if %cond3A_14 {
      "tpu.region"() ({
        %run_scoped3A = tpu.sem_alloc : memref<!tpu.dma_semaphore, #tpu.memory_space<semaphore_mem>>
        %dma_start3A_67 = arith.constant 0 : i32
        %dma_start3A_68 = arith.constant 0 : i32
        %dma_start3A_69 = tpu.memref_slice %arg7[%dma_start3A_67, %dma_start3A_68] : memref<160x128xf32, #tpu.memory_space<vmem>> -> memref<8x128xf32, #tpu.memory_space<vmem>>
        %dma_start3A_70 = arith.constant 5120 : i32
        %dma_start3A_71 = arith.constant 0 : i32
        %dma_start3A_72 = tpu.memref_slice %arg8[%dma_start3A_70, %dma_start3A_71] : memref<5128x128xf32, #tpu.memory_space<vmem_shared>> -> memref<8x128xf32, #tpu.memory_space<vmem_shared>>
        %dma_start3A_73 = arith.constant 5120 : i32
        %dma_start3A_74 = arith.constant 0 : i32
        %dma_start3A_75 = tpu.memref_slice %arg8[%dma_start3A_73, %dma_start3A_74] : memref<5128x128xf32, #tpu.memory_space<vmem_shared>> -> memref<8x128xf32, #tpu.memory_space<vmem_shared>>
        %dma_start3A_76 = arith.constant 0 : i32
        %dma_start3A_77 = arith.constant 0 : i32
        %dma_start3A_78 = tpu.memref_slice %arg7[%dma_start3A_76, %dma_start3A_77] : memref<160x128xf32, #tpu.memory_space<vmem>> -> memref<8x128xf32, #tpu.memory_space<vmem>>
        tpu.enqueue_dma source(%dma_start3A_78 : memref<8x128xf32, #tpu.memory_space<vmem>>) target(%dma_start3A_75 : memref<8x128xf32, #tpu.memory_space<vmem_shared>>) target_semaphore(%run_scoped3A : memref<!tpu.dma_semaphore, #tpu.memory_space<semaphore_mem>>)
        %dma_wait3A = arith.constant 0 : i32
        %dma_wait3A_79 = arith.constant 0 : i32
        %dma_wait3A_80 = tpu.memref_slice %arg7[%dma_wait3A, %dma_wait3A_79] : memref<160x128xf32, #tpu.memory_space<vmem>> -> memref<8x128xf32, #tpu.memory_space<vmem>>
        %dma_wait3A_81 = arith.constant 5120 : i32
        %dma_wait3A_82 = arith.constant 0 : i32
        %dma_wait3A_83 = tpu.memref_slice %arg8[%dma_wait3A_81, %dma_wait3A_82] : memref<5128x128xf32, #tpu.memory_space<vmem_shared>> -> memref<8x128xf32, #tpu.memory_space<vmem_shared>>
        %dma_wait3A_84 = arith.constant 5120 : i32
        %dma_wait3A_85 = arith.constant 0 : i32
        %dma_wait3A_86 = tpu.memref_slice %arg8[%dma_wait3A_84, %dma_wait3A_85] : memref<5128x128xf32, #tpu.memory_space<vmem_shared>> -> memref<8x128xf32, #tpu.memory_space<vmem_shared>>
        %dma_wait3A_87 = arith.constant 0 : i32
        %dma_wait3A_88 = arith.constant 0 : i32
        %dma_wait3A_89 = tpu.memref_slice %arg7[%dma_wait3A_87, %dma_wait3A_88] : memref<160x128xf32, #tpu.memory_space<vmem>> -> memref<8x128xf32, #tpu.memory_space<vmem>>
        tpu.wait_dma2 semaphore(%run_scoped3A : memref<!tpu.dma_semaphore, #tpu.memory_space<semaphore_mem>>) src(%dma_wait3A_89 : memref<8x128xf32, #tpu.memory_space<vmem>>) dst(%dma_wait3A_86 : memref<8x128xf32, #tpu.memory_space<vmem_shared>>)
        tpu.yield
      }) : () -> ()
    } else {
    }
    %barrier3A = arith.constant 0 : index
    tpu.barrier barrier_id(%barrier3A)
    "tpu.region"() ({
      %run_scoped3A = tpu.sem_alloc : memref<!tpu.dma_semaphore, #tpu.memory_space<semaphore_mem>>
      %dma_start3A_67 = arith.constant 0 : i32
      %dma_start3A_68 = arith.constant 0 : i32
      %dma_start3A_69 = tpu.memref_slice %arg3[%arg1, %dma_start3A_67, %dma_start3A_68] : memref<16x250x80xi32, #tpu.memory_space<hbm>> -> memref<1x250x80xi32, #tpu.memory_space<hbm>>
      %dma_start3A_70 = tpu.memref_squeeze %dma_start3A_69 : memref<1x250x80xi32, #tpu.memory_space<hbm>> -> memref<250x80xi32, #tpu.memory_space<hbm>>
      %dma_start3A_71 = arith.constant 0 : i32
      %dma_start3A_72 = arith.constant 0 : i32
      %dma_start3A_73 = tpu.memref_slice %arg3[%arg1, %dma_start3A_71, %dma_start3A_72] : memref<16x250x80xi32, #tpu.memory_space<hbm>> -> memref<1x250x80xi32, #tpu.memory_space<hbm>>
      %dma_start3A_74 = tpu.memref_squeeze %dma_start3A_73 : memref<1x250x80xi32, #tpu.memory_space<hbm>> -> memref<250x80xi32, #tpu.memory_space<hbm>>
      tpu.enqueue_dma source(%dma_start3A_74 : memref<250x80xi32, #tpu.memory_space<hbm>>) target(%arg5 : memref<250x80xi32, #tpu.memory_space<vmem>>) target_semaphore(%run_scoped3A : memref<!tpu.dma_semaphore, #tpu.memory_space<semaphore_mem>>)
      %dma_wait3A = arith.constant 0 : i32
      %dma_wait3A_75 = arith.constant 0 : i32
      %dma_wait3A_76 = tpu.memref_slice %arg3[%arg1, %dma_wait3A, %dma_wait3A_75] : memref<16x250x80xi32, #tpu.memory_space<hbm>> -> memref<1x250x80xi32, #tpu.memory_space<hbm>>
      %dma_wait3A_77 = tpu.memref_squeeze %dma_wait3A_76 : memref<1x250x80xi32, #tpu.memory_space<hbm>> -> memref<250x80xi32, #tpu.memory_space<hbm>>
      %dma_wait3A_78 = arith.constant 0 : i32
      %dma_wait3A_79 = arith.constant 0 : i32
      %dma_wait3A_80 = tpu.memref_slice %arg3[%arg1, %dma_wait3A_78, %dma_wait3A_79] : memref<16x250x80xi32, #tpu.memory_space<hbm>> -> memref<1x250x80xi32, #tpu.memory_space<hbm>>
      %dma_wait3A_81 = tpu.memref_squeeze %dma_wait3A_80 : memref<1x250x80xi32, #tpu.memory_space<hbm>> -> memref<250x80xi32, #tpu.memory_space<hbm>>
      tpu.wait_dma2 semaphore(%run_scoped3A : memref<!tpu.dma_semaphore, #tpu.memory_space<semaphore_mem>>) src(%dma_wait3A_81 : memref<250x80xi32, #tpu.memory_space<hbm>>) dst(%arg5 : memref<250x80xi32, #tpu.memory_space<vmem>>)
      tpu.yield
    }) : () -> ()
    %mul3A_15 = arith.constant 5120 : i32
    %mul3A_16 = arith.muli %arg0, %mul3A_15 : i32
    %scan3A_17 = arith.constant 0 : i32
    %scan3A_18 = arith.constant 0 : i32
    %scan3A_19 = arith.constant 250 : i32
    %scan3A_20 = arith.addi %scan3A_18, %scan3A_19 : i32
    %scan3A_21 = arith.constant 1 : i32
    %scan3A_22 = scf.for %scan3A_67 = %scan3A_18 to %scan3A_20 step %scan3A_21 iter_args(%scan3A_68 = %scan3A_17) -> (i32)  : i32 {
      %get3A = arith.index_cast %scan3A_67 : i32 to index
      %get3A_69 = arith.constant 0 : index
      %get3A_70 = tpu.vector_load %arg5[%get3A, %get3A_69] {strides = array<i32>} : memref<250x80xi32, #tpu.memory_space<vmem>>, vector<1x16xi32>,
      %get3A_71 = vector.shape_cast %get3A_70 : vector<1x16xi32> to vector<16xi32>
      %sub3A = vector.broadcast %mul3A_16 : i32 to vector<16xi32>
      %sub3A_72 = arith.subi %get3A_71, %sub3A : vector<16xi32>
      %ge3A = arith.constant 0 : i32
      %ge3A_73 = vector.broadcast %ge3A : i32 to vector<16xi32>
      %ge3A_74 = arith.cmpi sge, %sub3A_72, %ge3A_73 : vector<16xi32>
      %lt3A = arith.constant 5120 : i32
      %lt3A_75 = vector.broadcast %lt3A : i32 to vector<16xi32>
      %lt3A_76 = arith.cmpi slt, %sub3A_72, %lt3A_75 : vector<16xi32>
      %and3A = arith.andi %ge3A_74, %lt3A_76 : vector<16xi1>
      %jit3A = arith.constant 5120 : i32
      %broadcast_in_dim3A_77 = vector.broadcast %jit3A : i32 to vector<16xi32>
      %select_n3A = arith.select %and3A, %sub3A_72, %broadcast_in_dim3A_77 : vector<16xi1>, vector<16xi32>
      %swap3A = arith.index_cast %scan3A_67 : i32 to index
      %swap3A_78 = arith.constant 0 : index
      %swap3A_79 = tpu.vector_load %arg5[%swap3A, %swap3A_78] {strides = array<i32>} : memref<250x80xi32, #tpu.memory_space<vmem>>, vector<1x16xi32>,
      %swap3A_80 = vector.shape_cast %swap3A_79 : vector<1x16xi32> to vector<16xi32>
      %swap3A_81 = vector.shape_cast %select_n3A : vector<16xi32> to vector<1x16xi32>
      tpu.vector_store %arg5[%swap3A, %swap3A_78], %swap3A_81 {strides = array<i32>} : memref<250x80xi32, #tpu.memory_space<vmem>>, vector<1x16xi32>,
      %get3A_82 = arith.index_cast %scan3A_67 : i32 to index
      %get3A_83 = arith.constant 16 : index
      %get3A_84 = tpu.vector_load %arg5[%get3A_82, %get3A_83] {strides = array<i32>} : memref<250x80xi32, #tpu.memory_space<vmem>>, vector<1x16xi32>,
      %get3A_85 = vector.shape_cast %get3A_84 : vector<1x16xi32> to vector<16xi32>
      %sub3A_86 = vector.broadcast %mul3A_16 : i32 to vector<16xi32>
      %sub3A_87 = arith.subi %get3A_85, %sub3A_86 : vector<16xi32>
      %ge3A_88 = arith.constant 0 : i32
      %ge3A_89 = vector.broadcast %ge3A_88 : i32 to vector<16xi32>
      %ge3A_90 = arith.cmpi sge, %sub3A_87, %ge3A_89 : vector<16xi32>
      %lt3A_91 = arith.constant 5120 : i32
      %lt3A_92 = vector.broadcast %lt3A_91 : i32 to vector<16xi32>
      %lt3A_93 = arith.cmpi slt, %sub3A_87, %lt3A_92 : vector<16xi32>
      %and3A_94 = arith.andi %ge3A_90, %lt3A_93 : vector<16xi1>
      %jit3A_95 = arith.constant 5120 : i32
      %broadcast_in_dim3A_96 = vector.broadcast %jit3A_95 : i32 to vector<16xi32>
      %select_n3A_97 = arith.select %and3A_94, %sub3A_87, %broadcast_in_dim3A_96 : vector<16xi1>, vector<16xi32>
      %swap3A_98 = arith.index_cast %scan3A_67 : i32 to index
      %swap3A_99 = arith.constant 16 : index
      %swap3A_100 = tpu.vector_load %arg5[%swap3A_98, %swap3A_99] {strides = array<i32>} : memref<250x80xi32, #tpu.memory_space<vmem>>, vector<1x16xi32>,
      %swap3A_101 = vector.shape_cast %swap3A_100 : vector<1x16xi32> to vector<16xi32>
      %swap3A_102 = vector.shape_cast %select_n3A_97 : vector<16xi32> to vector<1x16xi32>
      tpu.vector_store %arg5[%swap3A_98, %swap3A_99], %swap3A_102 {strides = array<i32>} : memref<250x80xi32, #tpu.memory_space<vmem>>, vector<1x16xi32>,
      %get3A_103 = arith.index_cast %scan3A_67 : i32 to index
      %get3A_104 = arith.constant 32 : index
      %get3A_105 = tpu.vector_load %arg5[%get3A_103, %get3A_104] {strides = array<i32>} : memref<250x80xi32, #tpu.memory_space<vmem>>, vector<1x16xi32>,
      %get3A_106 = vector.shape_cast %get3A_105 : vector<1x16xi32> to vector<16xi32>
      %sub3A_107 = vector.broadcast %mul3A_16 : i32 to vector<16xi32>
      %sub3A_108 = arith.subi %get3A_106, %sub3A_107 : vector<16xi32>
      %ge3A_109 = arith.constant 0 : i32
      %ge3A_110 = vector.broadcast %ge3A_109 : i32 to vector<16xi32>
      %ge3A_111 = arith.cmpi sge, %sub3A_108, %ge3A_110 : vector<16xi32>
      %lt3A_112 = arith.constant 5120 : i32
      %lt3A_113 = vector.broadcast %lt3A_112 : i32 to vector<16xi32>
      %lt3A_114 = arith.cmpi slt, %sub3A_108, %lt3A_113 : vector<16xi32>
      %and3A_115 = arith.andi %ge3A_111, %lt3A_114 : vector<16xi1>
      %jit3A_116 = arith.constant 5120 : i32
      %broadcast_in_dim3A_117 = vector.broadcast %jit3A_116 : i32 to vector<16xi32>
      %select_n3A_118 = arith.select %and3A_115, %sub3A_108, %broadcast_in_dim3A_117 : vector<16xi1>, vector<16xi32>
      %swap3A_119 = arith.index_cast %scan3A_67 : i32 to index
      %swap3A_120 = arith.constant 32 : index
      %swap3A_121 = tpu.vector_load %arg5[%swap3A_119, %swap3A_120] {strides = array<i32>} : memref<250x80xi32, #tpu.memory_space<vmem>>, vector<1x16xi32>,
      %swap3A_122 = vector.shape_cast %swap3A_121 : vector<1x16xi32> to vector<16xi32>
      %swap3A_123 = vector.shape_cast %select_n3A_118 : vector<16xi32> to vector<1x16xi32>
      tpu.vector_store %arg5[%swap3A_119, %swap3A_120], %swap3A_123 {strides = array<i32>} : memref<250x80xi32, #tpu.memory_space<vmem>>, vector<1x16xi32>,
      %get3A_124 = arith.index_cast %scan3A_67 : i32 to index
      %get3A_125 = arith.constant 48 : index
      %get3A_126 = tpu.vector_load %arg5[%get3A_124, %get3A_125] {strides = array<i32>} : memref<250x80xi32, #tpu.memory_space<vmem>>, vector<1x16xi32>,
      %get3A_127 = vector.shape_cast %get3A_126 : vector<1x16xi32> to vector<16xi32>
      %sub3A_128 = vector.broadcast %mul3A_16 : i32 to vector<16xi32>
      %sub3A_129 = arith.subi %get3A_127, %sub3A_128 : vector<16xi32>
      %ge3A_130 = arith.constant 0 : i32
      %ge3A_131 = vector.broadcast %ge3A_130 : i32 to vector<16xi32>
      %ge3A_132 = arith.cmpi sge, %sub3A_129, %ge3A_131 : vector<16xi32>
      %lt3A_133 = arith.constant 5120 : i32
      %lt3A_134 = vector.broadcast %lt3A_133 : i32 to vector<16xi32>
      %lt3A_135 = arith.cmpi slt, %sub3A_129, %lt3A_134 : vector<16xi32>
      %and3A_136 = arith.andi %ge3A_132, %lt3A_135 : vector<16xi1>
      %jit3A_137 = arith.constant 5120 : i32
      %broadcast_in_dim3A_138 = vector.broadcast %jit3A_137 : i32 to vector<16xi32>
      %select_n3A_139 = arith.select %and3A_136, %sub3A_129, %broadcast_in_dim3A_138 : vector<16xi1>, vector<16xi32>
      %swap3A_140 = arith.index_cast %scan3A_67 : i32 to index
      %swap3A_141 = arith.constant 48 : index
      %swap3A_142 = tpu.vector_load %arg5[%swap3A_140, %swap3A_141] {strides = array<i32>} : memref<250x80xi32, #tpu.memory_space<vmem>>, vector<1x16xi32>,
      %swap3A_143 = vector.shape_cast %swap3A_142 : vector<1x16xi32> to vector<16xi32>
      %swap3A_144 = vector.shape_cast %select_n3A_139 : vector<16xi32> to vector<1x16xi32>
      tpu.vector_store %arg5[%swap3A_140, %swap3A_141], %swap3A_144 {strides = array<i32>} : memref<250x80xi32, #tpu.memory_space<vmem>>, vector<1x16xi32>,
      %get3A_145 = arith.index_cast %scan3A_67 : i32 to index
      %get3A_146 = arith.constant 64 : index
      %get3A_147 = tpu.vector_load %arg5[%get3A_145, %get3A_146] {strides = array<i32>} : memref<250x80xi32, #tpu.memory_space<vmem>>, vector<1x16xi32>,
      %get3A_148 = vector.shape_cast %get3A_147 : vector<1x16xi32> to vector<16xi32>
      %sub3A_149 = vector.broadcast %mul3A_16 : i32 to vector<16xi32>
      %sub3A_150 = arith.subi %get3A_148, %sub3A_149 : vector<16xi32>
      %ge3A_151 = arith.constant 0 : i32
      %ge3A_152 = vector.broadcast %ge3A_151 : i32 to vector<16xi32>
      %ge3A_153 = arith.cmpi sge, %sub3A_150, %ge3A_152 : vector<16xi32>
      %lt3A_154 = arith.constant 5120 : i32
      %lt3A_155 = vector.broadcast %lt3A_154 : i32 to vector<16xi32>
      %lt3A_156 = arith.cmpi slt, %sub3A_150, %lt3A_155 : vector<16xi32>
      %and3A_157 = arith.andi %ge3A_153, %lt3A_156 : vector<16xi1>
      %jit3A_158 = arith.constant 5120 : i32
      %broadcast_in_dim3A_159 = vector.broadcast %jit3A_158 : i32 to vector<16xi32>
      %select_n3A_160 = arith.select %and3A_157, %sub3A_150, %broadcast_in_dim3A_159 : vector<16xi1>, vector<16xi32>
      %swap3A_161 = arith.index_cast %scan3A_67 : i32 to index
      %swap3A_162 = arith.constant 64 : index
      %swap3A_163 = tpu.vector_load %arg5[%swap3A_161, %swap3A_162] {strides = array<i32>} : memref<250x80xi32, #tpu.memory_space<vmem>>, vector<1x16xi32>,
      %swap3A_164 = vector.shape_cast %swap3A_163 : vector<1x16xi32> to vector<16xi32>
      %swap3A_165 = vector.shape_cast %select_n3A_160 : vector<16xi32> to vector<1x16xi32>
      tpu.vector_store %arg5[%swap3A_161, %swap3A_162], %swap3A_165 {strides = array<i32>} : memref<250x80xi32, #tpu.memory_space<vmem>>, vector<1x16xi32>,
      %scan3A_166 = arith.constant 0 : i32
      scf.yield %scan3A_166 : i32
    }
    %scan3A_23 = arith.constant 250 : i32
    %mul3A_24 = arith.constant 20000 : i32
    %mul3A_25 = arith.muli %arg1, %mul3A_24 : i32
    %add3A_26 = arith.constant 0 : i32
    %add3A_27 = arith.addi %mul3A_25, %add3A_26 : i32
    %dma_start3A = arith.constant 0 : i32
    %dma_start3A_28 = arith.constant 0 : i32
    %dma_start3A_29 = arith.constant 0 : i32
    %dma_start3A_30 = tpu.memref_slice %arg6[%dma_start3A, %dma_start3A_28, %dma_start3A_29] : memref<2x80x128xf32, #tpu.memory_space<vmem>> -> memref<1x80x128xf32, #tpu.memory_space<vmem>>
    %dma_start3A_31 = tpu.memref_squeeze %dma_start3A_30 : memref<1x80x128xf32, #tpu.memory_space<vmem>> -> memref<80x128xf32, #tpu.memory_space<vmem>>
    %dma_start3A_32 = arith.constant 0 : i32
    %dma_start3A_33 = tpu.memref_slice %arg2[%add3A_27, %dma_start3A_32] : memref<320000x128xf32, #tpu.memory_space<hbm>> -> memref<80x128xf32, #tpu.memory_space<hbm>>
    %dma_start3A_34 = arith.constant 0 : i32
    %dma_start3A_35 = arith.constant 0 : i32
    %dma_start3A_36 = tpu.memref_slice %arg6[%dma_start3A, %dma_start3A_34, %dma_start3A_35] : memref<2x80x128xf32, #tpu.memory_space<vmem>> -> memref<1x80x128xf32, #tpu.memory_space<vmem>>
    %dma_start3A_37 = tpu.memref_squeeze %dma_start3A_36 : memref<1x80x128xf32, #tpu.memory_space<vmem>> -> memref<80x128xf32, #tpu.memory_space<vmem>>
    %dma_start3A_38 = arith.constant 0 : i32
    %dma_start3A_39 = tpu.memref_slice %arg2[%add3A_27, %dma_start3A_38] : memref<320000x128xf32, #tpu.memory_space<hbm>> -> memref<80x128xf32, #tpu.memory_space<hbm>>
    tpu.enqueue_dma source(%dma_start3A_39 : memref<80x128xf32, #tpu.memory_space<hbm>>) target(%dma_start3A_37 : memref<80x128xf32, #tpu.memory_space<vmem>>) target_semaphore(%arg9 : memref<!tpu.dma_semaphore, #tpu.memory_space<semaphore_mem>>)
    %add3A_40 = arith.constant 80 : i32
    %add3A_41 = arith.addi %mul3A_25, %add3A_40 : i32
    %dma_start3A_42 = arith.constant 1 : i32
    %dma_start3A_43 = arith.constant 0 : i32
    %dma_start3A_44 = arith.constant 0 : i32
    %dma_start3A_45 = tpu.memref_slice %arg6[%dma_start3A_42, %dma_start3A_43, %dma_start3A_44] : memref<2x80x128xf32, #tpu.memory_space<vmem>> -> memref<1x80x128xf32, #tpu.memory_space<vmem>>
    %dma_start3A_46 = tpu.memref_squeeze %dma_start3A_45 : memref<1x80x128xf32, #tpu.memory_space<vmem>> -> memref<80x128xf32, #tpu.memory_space<vmem>>
    %dma_start3A_47 = arith.constant 0 : i32
    %dma_start3A_48 = tpu.memref_slice %arg2[%add3A_41, %dma_start3A_47] : memref<320000x128xf32, #tpu.memory_space<hbm>> -> memref<80x128xf32, #tpu.memory_space<hbm>>
    %dma_start3A_49 = arith.constant 0 : i32
    %dma_start3A_50 = arith.constant 0 : i32
    %dma_start3A_51 = tpu.memref_slice %arg6[%dma_start3A_42, %dma_start3A_49, %dma_start3A_50] : memref<2x80x128xf32, #tpu.memory_space<vmem>> -> memref<1x80x128xf32, #tpu.memory_space<vmem>>
    %dma_start3A_52 = tpu.memref_squeeze %dma_start3A_51 : memref<1x80x128xf32, #tpu.memory_space<vmem>> -> memref<80x128xf32, #tpu.memory_space<vmem>>
    %dma_start3A_53 = arith.constant 0 : i32
    %dma_start3A_54 = tpu.memref_slice %arg2[%add3A_41, %dma_start3A_53] : memref<320000x128xf32, #tpu.memory_space<hbm>> -> memref<80x128xf32, #tpu.memory_space<hbm>>
    tpu.enqueue_dma source(%dma_start3A_54 : memref<80x128xf32, #tpu.memory_space<hbm>>) target(%dma_start3A_52 : memref<80x128xf32, #tpu.memory_space<vmem>>) target_semaphore(%arg10 : memref<!tpu.dma_semaphore, #tpu.memory_space<semaphore_mem>>)
    %scan3A_55 = arith.constant 0 : i32
    %scan3A_56 = arith.constant 0 : i32
    %scan3A_57 = arith.constant 125 : i32
    %scan3A_58 = arith.addi %scan3A_56, %scan3A_57 : i32
    %scan3A_59 = arith.constant 1 : i32
    %scan3A_60 = scf.for %scan3A_67 = %scan3A_56 to %scan3A_58 step %scan3A_59 iter_args(%scan3A_68 = %scan3A_55) -> (i32)  : i32 {
      %mul3A_69 = arith.constant 2 : i32
      %mul3A_70 = arith.muli %mul3A_69, %scan3A_67 : i32
      %add3A_71 = arith.constant 0 : i32
      %add3A_72 = arith.addi %mul3A_70, %add3A_71 : i32
      %dma_wait3A = arith.constant 0 : i32
      %dma_wait3A_73 = arith.constant 0 : i32
      %dma_wait3A_74 = arith.constant 0 : i32
      %dma_wait3A_75 = tpu.memref_slice %arg6[%dma_wait3A, %dma_wait3A_73, %dma_wait3A_74] : memref<2x80x128xf32, #tpu.memory_space<vmem>> -> memref<1x80x128xf32, #tpu.memory_space<vmem>>
      %dma_wait3A_76 = tpu.memref_squeeze %dma_wait3A_75 : memref<1x80x128xf32, #tpu.memory_space<vmem>> -> memref<80x128xf32, #tpu.memory_space<vmem>>
      %dma_wait3A_77 = arith.constant 0 : i32
      %dma_wait3A_78 = arith.constant 0 : i32
      %dma_wait3A_79 = tpu.memref_slice %arg2[%dma_wait3A_77, %dma_wait3A_78] : memref<320000x128xf32, #tpu.memory_space<hbm>> -> memref<80x128xf32, #tpu.memory_space<hbm>>
      %dma_wait3A_80 = arith.constant 0 : i32
      %dma_wait3A_81 = arith.constant 0 : i32
      %dma_wait3A_82 = tpu.memref_slice %arg6[%dma_wait3A, %dma_wait3A_80, %dma_wait3A_81] : memref<2x80x128xf32, #tpu.memory_space<vmem>> -> memref<1x80x128xf32, #tpu.memory_space<vmem>>
      %dma_wait3A_83 = tpu.memref_squeeze %dma_wait3A_82 : memref<1x80x128xf32, #tpu.memory_space<vmem>> -> memref<80x128xf32, #tpu.memory_space<vmem>>
      %dma_wait3A_84 = arith.constant 0 : i32
      %dma_wait3A_85 = arith.constant 0 : i32
      %dma_wait3A_86 = tpu.memref_slice %arg2[%dma_wait3A_84, %dma_wait3A_85] : memref<320000x128xf32, #tpu.memory_space<hbm>> -> memref<80x128xf32, #tpu.memory_space<hbm>>
      tpu.wait_dma2 semaphore(%arg9 : memref<!tpu.dma_semaphore, #tpu.memory_space<semaphore_mem>>) src(%dma_wait3A_86 : memref<80x128xf32, #tpu.memory_space<hbm>>) dst(%dma_wait3A_83 : memref<80x128xf32, #tpu.memory_space<vmem>>)
      %run_scoped3A = arith.constant 0 : i32
      "tpu.region"() ({
        %run_scoped3A_121 = tpu.sem_alloc : memref<!tpu.dma_semaphore, #tpu.memory_space<semaphore_mem>>
        %dma_start3A_122 = arith.constant 0 : i32
        %dma_start3A_123 = arith.constant 0 : i32
        %dma_start3A_124 = tpu.memref_slice %arg6[%run_scoped3A, %dma_start3A_122, %dma_start3A_123] : memref<2x80x128xf32, #tpu.memory_space<vmem>> -> memref<1x80x128xf32, #tpu.memory_space<vmem>>
        %dma_start3A_125 = tpu.memref_squeeze %dma_start3A_124 : memref<1x80x128xf32, #tpu.memory_space<vmem>> -> memref<80x128xf32, #tpu.memory_space<vmem>>
        %dma_start3A_126 = arith.constant 0 : i32
        %dma_start3A_127 = tpu.memref_slice %arg5[%add3A_72, %dma_start3A_126] : memref<250x80xi32, #tpu.memory_space<vmem>> -> memref<1x80xi32, #tpu.memory_space<vmem>>
        %dma_start3A_128 = tpu.memref_squeeze %dma_start3A_127 : memref<1x80xi32, #tpu.memory_space<vmem>> -> memref<80xi32, #tpu.memory_space<vmem>>
        %dma_start3A_129 = arith.constant 0 : i32
        %dma_start3A_130 = arith.constant 0 : i32
        %dma_start3A_131 = tpu.memref_slice %arg8[%dma_start3A_129, %dma_start3A_130] : memref<5128x128xf32, #tpu.memory_space<vmem_shared>> -> memref<5128x128xf32, #tpu.memory_space<vmem_shared>>
        tpu.enqueue_indirect_dma source(%dma_start3A_125 : memref<80x128xf32, #tpu.memory_space<vmem>>) target(%dma_start3A_131 : memref<5128x128xf32, #tpu.memory_space<vmem_shared>>) offsets(%dma_start3A_128 : memref<80xi32, #tpu.memory_space<vmem>>) semaphore(%run_scoped3A_121 : memref<!tpu.dma_semaphore, #tpu.memory_space<semaphore_mem>>) {add = true}
        %dma_wait3A_132 = arith.constant 0 : i32
        %dma_wait3A_133 = arith.constant 0 : i32
        %dma_wait3A_134 = tpu.memref_slice %arg6[%run_scoped3A, %dma_wait3A_132, %dma_wait3A_133] : memref<2x80x128xf32, #tpu.memory_space<vmem>> -> memref<1x80x128xf32, #tpu.memory_space<vmem>>
        %dma_wait3A_135 = tpu.memref_squeeze %dma_wait3A_134 : memref<1x80x128xf32, #tpu.memory_space<vmem>> -> memref<80x128xf32, #tpu.memory_space<vmem>>
        %dma_wait3A_136 = arith.constant 0 : i32
        %dma_wait3A_137 = tpu.memref_slice %arg5[%add3A_72, %dma_wait3A_136] : memref<250x80xi32, #tpu.memory_space<vmem>> -> memref<1x80xi32, #tpu.memory_space<vmem>>
        %dma_wait3A_138 = tpu.memref_squeeze %dma_wait3A_137 : memref<1x80xi32, #tpu.memory_space<vmem>> -> memref<80xi32, #tpu.memory_space<vmem>>
        %dma_wait3A_139 = arith.constant 0 : i32
        %dma_wait3A_140 = arith.constant 0 : i32
        %dma_wait3A_141 = tpu.memref_slice %arg8[%dma_wait3A_139, %dma_wait3A_140] : memref<5128x128xf32, #tpu.memory_space<vmem_shared>> -> memref<5128x128xf32, #tpu.memory_space<vmem_shared>>
        tpu.wait_indirect_dma semaphore(%run_scoped3A_121 : memref<!tpu.dma_semaphore, #tpu.memory_space<semaphore_mem>>) src(%dma_wait3A_135 : memref<80x128xf32, #tpu.memory_space<vmem>>) dst(%dma_wait3A_141 : memref<5128x128xf32, #tpu.memory_space<vmem_shared>>)
        tpu.yield
      }) : () -> ()
      %add3A_87 = arith.constant 2 : i32
      %add3A_88 = arith.addi %add3A_72, %add3A_87 : i32
      %lt3A = arith.constant 250 : i32
      %lt3A_89 = arith.cmpi slt, %add3A_88, %lt3A : i32
      %convert_element_type3A_90 = arith.extui %lt3A_89 : i1 to i32
      %cond3A_91 = arith.constant 0 : i32
      %cond3A_92 = arith.cmpi ne, %convert_element_type3A_90, %cond3A_91 : i32
      scf.if %cond3A_92 {
        %add3A_121 = arith.constant 2 : i32
        %add3A_122 = arith.addi %add3A_72, %add3A_121 : i32
        %mul3A_123 = arith.constant 80 : i32
        %mul3A_124 = arith.muli %add3A_122, %mul3A_123 : i32
        %add3A_125 = arith.addi %mul3A_25, %mul3A_124 : i32
        %dma_start3A_126 = arith.constant 0 : i32
        %dma_start3A_127 = arith.constant 0 : i32
        %dma_start3A_128 = arith.constant 0 : i32
        %dma_start3A_129 = tpu.memref_slice %arg6[%dma_start3A_126, %dma_start3A_127, %dma_start3A_128] : memref<2x80x128xf32, #tpu.memory_space<vmem>> -> memref<1x80x128xf32, #tpu.memory_space<vmem>>
        %dma_start3A_130 = tpu.memref_squeeze %dma_start3A_129 : memref<1x80x128xf32, #tpu.memory_space<vmem>> -> memref<80x128xf32, #tpu.memory_space<vmem>>
        %dma_start3A_131 = arith.constant 0 : i32
        %dma_start3A_132 = tpu.memref_slice %arg2[%add3A_125, %dma_start3A_131] : memref<320000x128xf32, #tpu.memory_space<hbm>> -> memref<80x128xf32, #tpu.memory_space<hbm>>
        %dma_start3A_133 = arith.constant 0 : i32
        %dma_start3A_134 = arith.constant 0 : i32
        %dma_start3A_135 = tpu.memref_slice %arg6[%dma_start3A_126, %dma_start3A_133, %dma_start3A_134] : memref<2x80x128xf32, #tpu.memory_space<vmem>> -> memref<1x80x128xf32, #tpu.memory_space<vmem>>
        %dma_start3A_136 = tpu.memref_squeeze %dma_start3A_135 : memref<1x80x128xf32, #tpu.memory_space<vmem>> -> memref<80x128xf32, #tpu.memory_space<vmem>>
        %dma_start3A_137 = arith.constant 0 : i32
        %dma_start3A_138 = tpu.memref_slice %arg2[%add3A_125, %dma_start3A_137] : memref<320000x128xf32, #tpu.memory_space<hbm>> -> memref<80x128xf32, #tpu.memory_space<hbm>>
        tpu.enqueue_dma source(%dma_start3A_138 : memref<80x128xf32, #tpu.memory_space<hbm>>) target(%dma_start3A_136 : memref<80x128xf32, #tpu.memory_space<vmem>>) target_semaphore(%arg9 : memref<!tpu.dma_semaphore, #tpu.memory_space<semaphore_mem>>)
      } else {
      }
      %mul3A_93 = arith.constant 2 : i32
      %mul3A_94 = arith.muli %mul3A_93, %scan3A_67 : i32
      %add3A_95 = arith.constant 1 : i32
      %add3A_96 = arith.addi %mul3A_94, %add3A_95 : i32
      %dma_wait3A_97 = arith.constant 1 : i32
      %dma_wait3A_98 = arith.constant 0 : i32
      %dma_wait3A_99 = arith.constant 0 : i32
      %dma_wait3A_100 = tpu.memref_slice %arg6[%dma_wait3A_97, %dma_wait3A_98, %dma_wait3A_99] : memref<2x80x128xf32, #tpu.memory_space<vmem>> -> memref<1x80x128xf32, #tpu.memory_space<vmem>>
      %dma_wait3A_101 = tpu.memref_squeeze %dma_wait3A_100 : memref<1x80x128xf32, #tpu.memory_space<vmem>> -> memref<80x128xf32, #tpu.memory_space<vmem>>
      %dma_wait3A_102 = arith.constant 0 : i32
      %dma_wait3A_103 = arith.constant 0 : i32
      %dma_wait3A_104 = tpu.memref_slice %arg2[%dma_wait3A_102, %dma_wait3A_103] : memref<320000x128xf32, #tpu.memory_space<hbm>> -> memref<80x128xf32, #tpu.memory_space<hbm>>
      %dma_wait3A_105 = arith.constant 0 : i32
      %dma_wait3A_106 = arith.constant 0 : i32
      %dma_wait3A_107 = tpu.memref_slice %arg6[%dma_wait3A_97, %dma_wait3A_105, %dma_wait3A_106] : memref<2x80x128xf32, #tpu.memory_space<vmem>> -> memref<1x80x128xf32, #tpu.memory_space<vmem>>
      %dma_wait3A_108 = tpu.memref_squeeze %dma_wait3A_107 : memref<1x80x128xf32, #tpu.memory_space<vmem>> -> memref<80x128xf32, #tpu.memory_space<vmem>>
      %dma_wait3A_109 = arith.constant 0 : i32
      %dma_wait3A_110 = arith.constant 0 : i32
      %dma_wait3A_111 = tpu.memref_slice %arg2[%dma_wait3A_109, %dma_wait3A_110] : memref<320000x128xf32, #tpu.memory_space<hbm>> -> memref<80x128xf32, #tpu.memory_space<hbm>>
      tpu.wait_dma2 semaphore(%arg10 : memref<!tpu.dma_semaphore, #tpu.memory_space<semaphore_mem>>) src(%dma_wait3A_111 : memref<80x128xf32, #tpu.memory_space<hbm>>) dst(%dma_wait3A_108 : memref<80x128xf32, #tpu.memory_space<vmem>>)
      %run_scoped3A_112 = arith.constant 1 : i32
      "tpu.region"() ({
        %run_scoped3A_121 = tpu.sem_alloc : memref<!tpu.dma_semaphore, #tpu.memory_space<semaphore_mem>>
        %dma_start3A_122 = arith.constant 0 : i32
        %dma_start3A_123 = arith.constant 0 : i32
        %dma_start3A_124 = tpu.memref_slice %arg6[%run_scoped3A_112, %dma_start3A_122, %dma_start3A_123] : memref<2x80x128xf32, #tpu.memory_space<vmem>> -> memref<1x80x128xf32, #tpu.memory_space<vmem>>
        %dma_start3A_125 = tpu.memref_squeeze %dma_start3A_124 : memref<1x80x128xf32, #tpu.memory_space<vmem>> -> memref<80x128xf32, #tpu.memory_space<vmem>>
        %dma_start3A_126 = arith.constant 0 : i32
        %dma_start3A_127 = tpu.memref_slice %arg5[%add3A_96, %dma_start3A_126] : memref<250x80xi32, #tpu.memory_space<vmem>> -> memref<1x80xi32, #tpu.memory_space<vmem>>
        %dma_start3A_128 = tpu.memref_squeeze %dma_start3A_127 : memref<1x80xi32, #tpu.memory_space<vmem>> -> memref<80xi32, #tpu.memory_space<vmem>>
        %dma_start3A_129 = arith.constant 0 : i32
        %dma_start3A_130 = arith.constant 0 : i32
        %dma_start3A_131 = tpu.memref_slice %arg8[%dma_start3A_129, %dma_start3A_130] : memref<5128x128xf32, #tpu.memory_space<vmem_shared>> -> memref<5128x128xf32, #tpu.memory_space<vmem_shared>>
        tpu.enqueue_indirect_dma source(%dma_start3A_125 : memref<80x128xf32, #tpu.memory_space<vmem>>) target(%dma_start3A_131 : memref<5128x128xf32, #tpu.memory_space<vmem_shared>>) offsets(%dma_start3A_128 : memref<80xi32, #tpu.memory_space<vmem>>) semaphore(%run_scoped3A_121 : memref<!tpu.dma_semaphore, #tpu.memory_space<semaphore_mem>>) {add = true}
        %dma_wait3A_132 = arith.constant 0 : i32
        %dma_wait3A_133 = arith.constant 0 : i32
        %dma_wait3A_134 = tpu.memref_slice %arg6[%run_scoped3A_112, %dma_wait3A_132, %dma_wait3A_133] : memref<2x80x128xf32, #tpu.memory_space<vmem>> -> memref<1x80x128xf32, #tpu.memory_space<vmem>>
        %dma_wait3A_135 = tpu.memref_squeeze %dma_wait3A_134 : memref<1x80x128xf32, #tpu.memory_space<vmem>> -> memref<80x128xf32, #tpu.memory_space<vmem>>
        %dma_wait3A_136 = arith.constant 0 : i32
        %dma_wait3A_137 = tpu.memref_slice %arg5[%add3A_96, %dma_wait3A_136] : memref<250x80xi32, #tpu.memory_space<vmem>> -> memref<1x80xi32, #tpu.memory_space<vmem>>
        %dma_wait3A_138 = tpu.memref_squeeze %dma_wait3A_137 : memref<1x80xi32, #tpu.memory_space<vmem>> -> memref<80xi32, #tpu.memory_space<vmem>>
        %dma_wait3A_139 = arith.constant 0 : i32
        %dma_wait3A_140 = arith.constant 0 : i32
        %dma_wait3A_141 = tpu.memref_slice %arg8[%dma_wait3A_139, %dma_wait3A_140] : memref<5128x128xf32, #tpu.memory_space<vmem_shared>> -> memref<5128x128xf32, #tpu.memory_space<vmem_shared>>
        tpu.wait_indirect_dma semaphore(%run_scoped3A_121 : memref<!tpu.dma_semaphore, #tpu.memory_space<semaphore_mem>>) src(%dma_wait3A_135 : memref<80x128xf32, #tpu.memory_space<vmem>>) dst(%dma_wait3A_141 : memref<5128x128xf32, #tpu.memory_space<vmem_shared>>)
        tpu.yield
      }) : () -> ()
      %add3A_113 = arith.constant 2 : i32
      %add3A_114 = arith.addi %add3A_96, %add3A_113 : i32
      %lt3A_115 = arith.constant 250 : i32
      %lt3A_116 = arith.cmpi slt, %add3A_114, %lt3A_115 : i32
      %convert_element_type3A_117 = arith.extui %lt3A_116 : i1 to i32
      %cond3A_118 = arith.constant 0 : i32
      %cond3A_119 = arith.cmpi ne, %convert_element_type3A_117, %cond3A_118 : i32
      scf.if %cond3A_119 {
        %add3A_121 = arith.constant 2 : i32
        %add3A_122 = arith.addi %add3A_96, %add3A_121 : i32
        %mul3A_123 = arith.constant 80 : i32
        %mul3A_124 = arith.muli %add3A_122, %mul3A_123 : i32
        %add3A_125 = arith.addi %mul3A_25, %mul3A_124 : i32
        %dma_start3A_126 = arith.constant 1 : i32
        %dma_start3A_127 = arith.constant 0 : i32
        %dma_start3A_128 = arith.constant 0 : i32
        %dma_start3A_129 = tpu.memref_slice %arg6[%dma_start3A_126, %dma_start3A_127, %dma_start3A_128] : memref<2x80x128xf32, #tpu.memory_space<vmem>> -> memref<1x80x128xf32, #tpu.memory_space<vmem>>
        %dma_start3A_130 = tpu.memref_squeeze %dma_start3A_129 : memref<1x80x128xf32, #tpu.memory_space<vmem>> -> memref<80x128xf32, #tpu.memory_space<vmem>>
        %dma_start3A_131 = arith.constant 0 : i32
        %dma_start3A_132 = tpu.memref_slice %arg2[%add3A_125, %dma_start3A_131] : memref<320000x128xf32, #tpu.memory_space<hbm>> -> memref<80x128xf32, #tpu.memory_space<hbm>>
        %dma_start3A_133 = arith.constant 0 : i32
        %dma_start3A_134 = arith.constant 0 : i32
        %dma_start3A_135 = tpu.memref_slice %arg6[%dma_start3A_126, %dma_start3A_133, %dma_start3A_134] : memref<2x80x128xf32, #tpu.memory_space<vmem>> -> memref<1x80x128xf32, #tpu.memory_space<vmem>>
        %dma_start3A_136 = tpu.memref_squeeze %dma_start3A_135 : memref<1x80x128xf32, #tpu.memory_space<vmem>> -> memref<80x128xf32, #tpu.memory_space<vmem>>
        %dma_start3A_137 = arith.constant 0 : i32
        %dma_start3A_138 = tpu.memref_slice %arg2[%add3A_125, %dma_start3A_137] : memref<320000x128xf32, #tpu.memory_space<hbm>> -> memref<80x128xf32, #tpu.memory_space<hbm>>
        tpu.enqueue_dma source(%dma_start3A_138 : memref<80x128xf32, #tpu.memory_space<hbm>>) target(%dma_start3A_136 : memref<80x128xf32, #tpu.memory_space<vmem>>) target_semaphore(%arg10 : memref<!tpu.dma_semaphore, #tpu.memory_space<semaphore_mem>>)
      } else {
      }
      %scan3A_120 = arith.constant 0 : i32
      scf.yield %scan3A_120 : i32
    }
    %scan3A_61 = arith.constant 125 : i32
    %barrier3A_62 = arith.constant 0 : index
    tpu.barrier barrier_id(%barrier3A_62)
    %mul3A_63 = arith.constant 320 : i32
    %mul3A_64 = arith.muli %arg1, %mul3A_63 : i32
    %mul3A_65 = arith.constant 320 : i32
    %mul3A_66 = arith.muli %arg1, %mul3A_65 : i32
    "tpu.region"() ({
      %run_scoped3A = tpu.sem_alloc : memref<!tpu.dma_semaphore, #tpu.memory_space<semaphore_mem>>
      %dma_start3A_67 = arith.constant 0 : i32
      %dma_start3A_68 = tpu.memref_slice %arg4[%arg0, %mul3A_66, %dma_start3A_67] : memref<2x5120x128xf32, #tpu.memory_space<hbm>> -> memref<1x320x128xf32, #tpu.memory_space<hbm>>
      %dma_start3A_69 = tpu.memref_squeeze %dma_start3A_68 : memref<1x320x128xf32, #tpu.memory_space<hbm>> -> memref<320x128xf32, #tpu.memory_space<hbm>>
      %dma_start3A_70 = arith.constant 0 : i32
      %dma_start3A_71 = tpu.memref_slice %arg8[%mul3A_64, %dma_start3A_70] : memref<5128x128xf32, #tpu.memory_space<vmem_shared>> -> memref<320x128xf32, #tpu.memory_space<vmem_shared>>
      tpu.enqueue_dma source(%dma_start3A_71 : memref<320x128xf32, #tpu.memory_space<vmem_shared>>) target(%dma_start3A_69 : memref<320x128xf32, #tpu.memory_space<hbm>>) target_semaphore(%run_scoped3A : memref<!tpu.dma_semaphore, #tpu.memory_space<semaphore_mem>>)
      %dma_wait3A = arith.constant 0 : i32
      %dma_wait3A_72 = tpu.memref_slice %arg4[%arg0, %mul3A_66, %dma_wait3A] : memref<2x5120x128xf32, #tpu.memory_space<hbm>> -> memref<1x320x128xf32, #tpu.memory_space<hbm>>
      %dma_wait3A_73 = tpu.memref_squeeze %dma_wait3A_72 : memref<1x320x128xf32, #tpu.memory_space<hbm>> -> memref<320x128xf32, #tpu.memory_space<hbm>>
      %dma_wait3A_74 = arith.constant 0 : i32
      %dma_wait3A_75 = tpu.memref_slice %arg8[%mul3A_64, %dma_wait3A_74] : memref<5128x128xf32, #tpu.memory_space<vmem_shared>> -> memref<320x128xf32, #tpu.memory_space<vmem_shared>>
      tpu.wait_dma2 semaphore(%run_scoped3A : memref<!tpu.dma_semaphore, #tpu.memory_space<semaphore_mem>>) src(%dma_wait3A_75 : memref<320x128xf32, #tpu.memory_space<vmem_shared>>) dst(%dma_wait3A_73 : memref<320x128xf32, #tpu.memory_space<hbm>>)
      tpu.yield
    }) : () -> ()
    return
  }
}

module attributes {stable_mosaic.version = 14 : i64} {
  func.func @_mlp_body(%arg0: i32, %arg1: memref<1000x128xf32, #tpu.memory_space<vmem>>, %arg2: memref<1000x16xf32, #tpu.memory_space<vmem>>, %arg3: memref<1000x128xf32, #tpu.memory_space<vmem>>, %arg4: memref<1x1x1000xi32, #tpu.memory_space<vmem>>, %arg5: memref<64x128xf32, #tpu.memory_space<vmem>>, %arg6: memref<384x256xf32, #tpu.memory_space<vmem>>, %arg7: memref<1x256xf32, #tpu.memory_space<vmem>>, %arg8: memref<256x128xf32, #tpu.memory_space<vmem>>, %arg9: memref<1x128xf32, #tpu.memory_space<vmem>>, %arg10: memref<1000x128xf32, #tpu.memory_space<vmem>>) attributes {dimension_semantics = [#tpu.dimension_semantics<arbitrary>], iteration_bounds = array<i64: 10>, scalar_prefetch = 0 : i64, scratch_operands = 0 : i64, tpu.core_type = #tpu.core_type<tc>, window_params = [{transform_indices = @transform_0, window_bounds = array<i64: 1000, 128>}, {transform_indices = @transform_1, window_bounds = array<i64: 1000, 16>}, {transform_indices = @transform_2, window_bounds = array<i64: 1000, 128>}, {transform_indices = @transform_3, window_bounds = array<i64: 1, 1, 1000>}, {pipeline_mode = #tpu.pipeline_mode<synchronous>, transform_indices = @transform_4, window_bounds = array<i64: 64, 128>}, {pipeline_mode = #tpu.pipeline_mode<synchronous>, transform_indices = @transform_5, window_bounds = array<i64: 384, 256>}, {pipeline_mode = #tpu.pipeline_mode<synchronous>, transform_indices = @transform_6, window_bounds = array<i64: 1, 256>}, {pipeline_mode = #tpu.pipeline_mode<synchronous>, transform_indices = @transform_7, window_bounds = array<i64: 256, 128>}, {pipeline_mode = #tpu.pipeline_mode<synchronous>, transform_indices = @transform_8, window_bounds = array<i64: 1, 128>}, {transform_indices = @transform_9, window_bounds = array<i64: 1000, 128>}]} {
    %get3A = arith.constant 0 : index
    %get3A_0 = arith.constant 0 : index
    %get3A_1 = vector.load %arg1[%get3A, %get3A_0] : memref<1000x128xf32, #tpu.memory_space<vmem>>, vector<1000x128xf32>
    %get3A_2 = arith.constant 0 : index
    %get3A_3 = arith.constant 0 : index
    %get3A_4 = vector.load %arg2[%get3A_2, %get3A_3] : memref<1000x16xf32, #tpu.memory_space<vmem>>, vector<1000x1xf32>
    %get3A_5 = vector.shape_cast %get3A_4 : vector<1000x1xf32> to vector<1000xf32>
    %max3A = arith.constant 1.000000e+00 : f32
    %max3A_6 = vector.broadcast %max3A : f32 to vector<1000xf32>
    %max3A_7 = arith.maximumf %get3A_5, %max3A_6 : vector<1000xf32>
    %broadcast_in_dim3A = vector.shape_cast %max3A_7 : vector<1000xf32> to vector<1000x1xf32>
    %div3A = vector.broadcast %broadcast_in_dim3A : vector<1000x1xf32> to vector<1000x128xf32>
    %div3A_8 = arith.divf %get3A_1, %div3A : vector<1000x128xf32>
    %get3A_9 = arith.constant 0 : index
    %get3A_10 = arith.constant 0 : index
    %get3A_11 = arith.constant 0 : index
    %get3A_12 = vector.load %arg4[%get3A_9, %get3A_10, %get3A_11] : memref<1x1x1000xi32, #tpu.memory_space<vmem>>, vector<1x1x1000xi32>
    %get3A_13 = vector.shape_cast %get3A_12 : vector<1x1x1000xi32> to vector<1000xi32>
    %broadcast_in_dim3A_14 = vector.shape_cast %get3A_13 : vector<1000xi32> to vector<1000x1xi32>
    %iota3A = tpu.iota {dimensions = array<i32: 1>} : vector<1000x64xi32>
    %eq3A = vector.broadcast %broadcast_in_dim3A_14 : vector<1000x1xi32> to vector<1000x64xi32>
    %eq3A_15 = arith.cmpi eq, %eq3A, %iota3A : vector<1000x64xi32>
    %convert_element_type3A = arith.extui %eq3A_15 : vector<1000x64xi1> to vector<1000x64xi32>
    %convert_element_type3A_16 = arith.sitofp %convert_element_type3A : vector<1000x64xi32> to vector<1000x64xf32>
    %get3A_17 = arith.constant 0 : index
    %get3A_18 = arith.constant 0 : index
    %get3A_19 = vector.load %arg5[%get3A_17, %get3A_18] : memref<64x128xf32, #tpu.memory_space<vmem>>, vector<64x128xf32>
    %dot_general3A = arith.constant dense<0.000000e+00> : vector<1000x128xf32>
    %dot_general3A_20 = tpu.matmul %convert_element_type3A_16, %get3A_19, %dot_general3A {dimension_numbers = #tpu.dot_dimension_numbers<[1], [0], [0], [1], [0, 0, 1, 1], [], []>, transpose_lhs_hint = false} : vector<1000x64xf32>, vector<64x128xf32>, vector<1000x128xf32> -> vector<1000x128xf32>
    %get3A_21 = arith.constant 0 : index
    %get3A_22 = arith.constant 0 : index
    %get3A_23 = vector.load %arg3[%get3A_21, %get3A_22] : memref<1000x128xf32, #tpu.memory_space<vmem>>, vector<1000x128xf32>
    %concatenate3A = tpu.concatenate %get3A_23, %div3A_8, %dot_general3A_20 in 1 : vector<1000x128xf32>, vector<1000x128xf32>, vector<1000x128xf32> -> vector<1000x384xf32>
    %get3A_24 = arith.constant 0 : index
    %get3A_25 = arith.constant 0 : index
    %get3A_26 = vector.load %arg6[%get3A_24, %get3A_25] : memref<384x256xf32, #tpu.memory_space<vmem>>, vector<384x256xf32>
    %dot_general3A_27 = arith.constant dense<0.000000e+00> : vector<1000x256xf32>
    %dot_general3A_28 = tpu.matmul %concatenate3A, %get3A_26, %dot_general3A_27 {dimension_numbers = #tpu.dot_dimension_numbers<[1], [0], [0], [1], [0, 0, 1, 1], [], []>, transpose_lhs_hint = false} : vector<1000x384xf32>, vector<384x256xf32>, vector<1000x256xf32> -> vector<1000x256xf32>
    %get3A_29 = arith.constant 0 : index
    %get3A_30 = arith.constant 0 : index
    %get3A_31 = vector.load %arg7[%get3A_29, %get3A_30] : memref<1x256xf32, #tpu.memory_space<vmem>>, vector<1x256xf32>
    %add3A = vector.broadcast %get3A_31 : vector<1x256xf32> to vector<1000x256xf32>
    %add3A_32 = arith.addf %dot_general3A_28, %add3A : vector<1000x256xf32>
    %max3A_33 = arith.constant 0.000000e+00 : f32
    %max3A_34 = vector.broadcast %max3A_33 : f32 to vector<1000x256xf32>
    %max3A_35 = arith.maximumf %add3A_32, %max3A_34 : vector<1000x256xf32>
    %get3A_36 = arith.constant 0 : index
    %get3A_37 = arith.constant 0 : index
    %get3A_38 = vector.load %arg8[%get3A_36, %get3A_37] : memref<256x128xf32, #tpu.memory_space<vmem>>, vector<256x128xf32>
    %dot_general3A_39 = arith.constant dense<0.000000e+00> : vector<1000x128xf32>
    %dot_general3A_40 = tpu.matmul %max3A_35, %get3A_38, %dot_general3A_39 {dimension_numbers = #tpu.dot_dimension_numbers<[1], [0], [0], [1], [0, 0, 1, 1], [], []>, transpose_lhs_hint = false} : vector<1000x256xf32>, vector<256x128xf32>, vector<1000x128xf32> -> vector<1000x128xf32>
    %get3A_41 = arith.constant 0 : index
    %get3A_42 = arith.constant 0 : index
    %get3A_43 = vector.load %arg9[%get3A_41, %get3A_42] : memref<1x128xf32, #tpu.memory_space<vmem>>, vector<1x128xf32>
    %add3A_44 = vector.broadcast %get3A_43 : vector<1x128xf32> to vector<1000x128xf32>
    %add3A_45 = arith.addf %dot_general3A_40, %add3A_44 : vector<1000x128xf32>
    %swap3A = arith.constant 0 : index
    %swap3A_46 = arith.constant 0 : index
    %swap3A_47 = vector.load %arg10[%swap3A, %swap3A_46] : memref<1000x128xf32, #tpu.memory_space<vmem>>, vector<1000x128xf32>
    tpu.vector_store %arg10[%swap3A, %swap3A_46], %add3A_45 {strides = array<i32>} : memref<1000x128xf32, #tpu.memory_space<vmem>>, vector<1000x128xf32>,
    return
  }
  func.func @transform_0(%arg0: i32) -> (i32, i32) {
    %c0_i32 = arith.constant 0 : i32
    %c0_i32_0 = arith.constant 0 : i32
    return %arg0, %c0_i32 : i32, i32
  }
  func.func @transform_1(%arg0: i32) -> (i32, i32) {
    %c0_i32 = arith.constant 0 : i32
    %c0_i32_0 = arith.constant 0 : i32
    return %arg0, %c0_i32 : i32, i32
  }
  func.func @transform_2(%arg0: i32) -> (i32, i32) {
    %c0_i32 = arith.constant 0 : i32
    %c0_i32_0 = arith.constant 0 : i32
    return %arg0, %c0_i32 : i32, i32
  }
  func.func @transform_3(%arg0: i32) -> (i32, i32, i32) {
    %c0_i32 = arith.constant 0 : i32
    %c0_i32_0 = arith.constant 0 : i32
    %c0_i32_1 = arith.constant 0 : i32
    return %arg0, %c0_i32, %c0_i32_0 : i32, i32, i32
  }
  func.func @transform_4(%arg0: i32) -> (i32, i32) {
    %c0_i32 = arith.constant 0 : i32
    %c0_i32_0 = arith.constant 0 : i32
    %c0_i32_1 = arith.constant 0 : i32
    return %c0_i32, %c0_i32_0 : i32, i32
  }
  func.func @transform_5(%arg0: i32) -> (i32, i32) {
    %c0_i32 = arith.constant 0 : i32
    %c0_i32_0 = arith.constant 0 : i32
    %c0_i32_1 = arith.constant 0 : i32
    return %c0_i32, %c0_i32_0 : i32, i32
  }
  func.func @transform_6(%arg0: i32) -> (i32, i32) {
    %c0_i32 = arith.constant 0 : i32
    %c0_i32_0 = arith.constant 0 : i32
    %c0_i32_1 = arith.constant 0 : i32
    return %c0_i32, %c0_i32_0 : i32, i32
  }
  func.func @transform_7(%arg0: i32) -> (i32, i32) {
    %c0_i32 = arith.constant 0 : i32
    %c0_i32_0 = arith.constant 0 : i32
    %c0_i32_1 = arith.constant 0 : i32
    return %c0_i32, %c0_i32_0 : i32, i32
  }
  func.func @transform_8(%arg0: i32) -> (i32, i32) {
    %c0_i32 = arith.constant 0 : i32
    %c0_i32_0 = arith.constant 0 : i32
    %c0_i32_1 = arith.constant 0 : i32
    return %c0_i32, %c0_i32_0 : i32, i32
  }
  func.func @transform_9(%arg0: i32) -> (i32, i32) {
    %c0_i32 = arith.constant 0 : i32
    %c0_i32_0 = arith.constant 0 : i32
    return %arg0, %c0_i32 : i32, i32
  }
}

</mosaic_0001>

<sc_bundles>
// kernel: kernel.5.cloned.1.call-start
scs
__scs_entry_jumppad:
0x0: {  	(pc) =	sbr.rel $0x88, $3  }
0x1: {  	(tag) =	ssettag $0x0;
	lr =	simm.s32 $0x1  }
0x2: {  	[smem:$0x3F98] =	sst lr;
	_ =	strace $0xD0000000  }
0x3: {  	_ = 	snop  }
0x4: {  	_ = 	snop  }
0x5: {  	_ = 	snop  }
0x6: {  	_ = 	snop  }
0x7: {  	_ = 	snop  }
__scs_overlays_trampoline_lowered:
0x8: {  	[smem:$0x3FA7] =	sst s0  }
0x9: {  	[smem:$0x3FA8] =	sst s1  }
0xa: {  	[smem:$0x3FA9] =	sst s2  }
0xb: {  	[smem:$0x3FAA] =	sst s3  }
0xc: {  	[smem:$0x3FAB] =	sst s4  }
0xd: {  	[smem:$0x3FAC] =	sst s5  }
0xe: {  	[smem:$0x3FAD] =	sst s6  }
0xf: {  	[smem:$0x3FAE] =	sst s7  }
0x10: {  	[smem:$0x3FAF] =	sst s8  }
0x11: {  	[smem:$0x3FB0] =	sst s9;
	s0 =	simm.s32 @!p0 $0x0  }
0x12: {  	s1 =	sld [smem:$0x3F96];
	s0 =	simm.s32 @p0 $0x1  }
0x13: {  	[smem:$0x3FB1] =	sst s0;
	s0 =	simm.s32 @!p1 $0x0  }
0x14: {  	s2 =	sld [smem:$0x3F95];
	s0 =	simm.s32 @p1 $0x1  }
0x15: {  	[smem:$0x3FB2] =	sst s0;
	s0 =	simm.s32 @!p2 $0x0  }
0x16: {  	s3 =	sld [smem:$0x3FDB];
	s0 =	simm.s32 @p2 $0x1  }
0x17: {  	s4 =	simm.s32 $0x1BF5;
	[smem:$0x3FB4] =	sst s0  }
0x18: {  	s0 =	sld [smem:$0x3F97];
	_ =	swait.ge [sflag:s4], $0x0  }
0x19: {  	s7 =	sld [smem:$0x3F98]  }
0x1a: {  	s8 =	sadd.s32 $0xFFFFE003, lr  }
0x1b: {  	s9 =	sadd.s32 $0xFFFFFEF7, lr;
	s5 =	simm.s32 $0xFFFFFFFF;
	p2 =	slt.u32 s8, $0xFFFFF086  }
0x1c: {  	p1 =	slt.u32 s9, $0xF7A;
	s5 =	simm.s32 @!p2 $0x0  }
0x1d: {  	s5 =	simm.s32 @p1 $0x1;
	p0 =	seq.s32 s7, s2  }
0x1e: {  	s7 =	smul.u32 @!p0 $0xF7A, s2;
	p2 =	seq.s32 @!p0 s5, $0x0  }
0x1f: {  	s9 =	smul.u32 $0xF7A, s1;
	s8 =	simm.s32 @!p0 $0x1BF5;
	p2 =	por !p2, p0  }
0x20: {  	[sflag:s8] =	ssyncset.s32 @!p0 $0xFFFFF086;
	s6 =	sadd.s32 @!p0 s3, s7;
	s7 =	simm.s32 @!p0 $0x108  }
0x21: {  	s3 =	sadd.s32 s3, s9;
	s6 =	sadd.s32 @!p0 $0x88, s6;
	s7 =	simm.s32 @p2 $0x1082  }
0x22: {  	[simem:s7], [sflag:s8] =	dma.local @!p0 [hbm:s6], $0xF7A  }
0x23: {  	s9 =	sor.u32 $0xD0000000, s2;
	s6 =	simm.s32 $0x108;
	_ =	swait.ge @!p0 [sflag:s8], $0x0  }
0x24: {  	s3 =	sadd.s32 $0x88, s3;
	s6 =	simm.s32 @!p1 $0x1082;
	[sflag:s4] =	ssyncset.s32 $0xFFFFF086  }
0x25: {  	[simem:s6], [sflag:s4] =	dma.local [hbm:s3], $0xF7A  }
0x26: {  	[smem:$0x3F98] =	sst s1;
	(tag) =	ssettag s2;
	_ =	strace s9  }
0x27: {  	s1 =	sld [smem:$0x3FA8]  }
0x28: {  	s2 =	sld [smem:$0x3FA9]  }
0x29: {  	s4 =	sld [smem:$0x3FAB]  }
0x2a: {  	p0 =	seq.s32 s5, $0x0;
	s5 =	sld [smem:$0x3FAC]  }
0x2b: {  	s6 =	sld [smem:$0x3FAD]  }
0x2c: {  	s7 =	sld [smem:$0x3FAE]  }
0x2d: {  	s3 =	simm.s32 $0x108;
	s8 =	sld [smem:$0x3FAF]  }
0x2e: {  	s3 =	simm.s32 @!p0 $0x1082;
	s9 =	sld [smem:$0x3FB0]  }
0x2f: {  	lr =	sadd.s32 s0, s3;
	s0 =	sld [smem:$0x3FA7]  }
0x30: {  	s3 =	sld [smem:$0x3FAA]  }
0x31: {  	[smem:$0x3FB3] =	sst s10  }
0x32: {  	s10 =	sld [smem:$0x3FB1];
	_ =	sdelay $0x3  }
0x33: {  	p0 =	seq.s32 s10, $0x1;
	s10 =	sld [smem:$0x3FB3];
	_ =	sdelay $0x3  }
0x34: {  	[smem:$0x3FB3] =	sst s10  }
0x35: {  	s10 =	sld [smem:$0x3FB2];
	_ =	sdelay $0x3  }
0x36: {  	p1 =	seq.s32 s10, $0x1;
	s10 =	sld [smem:$0x3FB3];
	_ =	sdelay $0x3  }
0x37: {  	[smem:$0x3FB3] =	sst s10  }
0x38: {  	s10 =	sld [smem:$0x3FB4]  }
0x39: {  	_ = 	snop;
	(pc) =	sbr.ind lr, $3  }
0x3a: {  	_ = 	snop  }
0x3b: {  	_ = 	snop  }
0x3c: {  	p2 =	seq.s32 s10, $0x1;
	s10 =	sld [smem:$0x3FB3]  }
0x3d: {  	_ =	shalt  }
0x3e: {  	_ =	shalt  }
0x3f: {  	_ =	shalt  }
0x40: {  	_ =	shalt  }
0x41: {  	_ =	shalt  }
0x42: {  	_ =	shalt  }
0x43: {  	_ =	shalt  }
0x44: {  	_ =	shalt  }
0x45: {  	_ =	shalt  }
0x46: {  	_ =	shalt  }
0x47: {  	_ =	shalt  }
0x48: {  	_ =	shalt  }
0x49: {  	_ =	shalt  }
0x4a: {  	_ =	shalt  }
0x4b: {  	_ =	shalt  }
0x4c: {  	_ =	shalt  }
0x4d: {  	_ =	shalt  }
0x4e: {  	_ =	shalt  }
0x4f: {  	_ =	shalt  }
0x50: {  	_ =	shalt  }
0x51: {  	_ =	shalt  }
0x52: {  	_ =	shalt  }
0x53: {  	_ =	shalt  }
0x54: {  	_ =	shalt  }
0x55: {  	_ =	shalt  }
0x56: {  	_ =	shalt  }
0x57: {  	_ =	shalt  }
0x58: {  	_ =	shalt  }
0x59: {  	_ =	shalt  }
0x5a: {  	_ =	shalt  }
0x5b: {  	_ =	shalt  }
0x5c: {  	_ =	shalt  }
0x5d: {  	_ =	shalt  }
0x5e: {  	_ =	shalt  }
0x5f: {  	_ =	shalt  }
0x60: {  	_ =	shalt  }
0x61: {  	_ =	shalt  }
0x62: {  	_ =	shalt  }
0x63: {  	_ =	shalt  }
0x64: {  	_ =	shalt  }
0x65: {  	_ =	shalt  }
0x66: {  	_ =	shalt  }
0x67: {  	_ =	shalt  }
0x68: {  	_ =	shalt  }
0x69: {  	_ =	shalt  }
0x6a: {  	_ =	shalt  }
0x6b: {  	_ =	shalt  }
0x6c: {  	_ =	shalt  }
0x6d: {  	_ =	shalt  }
0x6e: {  	_ =	shalt  }
0x6f: {  	_ =	shalt  }
0x70: {  	_ =	shalt  }
0x71: {  	_ =	shalt  }
0x72: {  	_ =	shalt  }
0x73: {  	_ =	shalt  }
0x74: {  	_ =	shalt  }
0x75: {  	_ =	shalt  }
0x76: {  	_ =	shalt  }
0x77: {  	_ =	shalt  }
0x78: {  	_ =	shalt  }
0x79: {  	_ =	shalt  }
0x7a: {  	_ =	shalt  }
0x7b: {  	_ =	shalt  }
0x7c: {  	_ =	shalt  }
0x7d: {  	_ =	shalt  }
0x7e: {  	_ =	shalt  }
0x7f: {  	_ =	shalt  }
0x80: {  	_ =	shalt  }
0x81: {  	_ =	shalt  }
0x82: {  	_ =	shalt  }
0x83: {  	_ =	shalt  }
0x84: {  	_ =	shalt  }
0x85: {  	_ =	shalt  }
0x86: {  	_ =	shalt  }
0x87: {  	_ =	shalt  }
.Lfunc_end0:
.L_simem_size_0:
called_computation_lowered:
.L_overlay_start_0:
0x88: {  	s2 =	sld [smem:$0x3FD9]  }
0x89: {  	s3 =	sld [smem:$0x3FFE];
	_ =	sdelay $0x1  }
0x8a: {  	s1 =	srdreg.scid  }
0x8b: {  	s0 =	sand.u32 $0x1, s1  }
0x8c: {  	s17 =	sshll.u32 s0, $0xA;
	s2 =	sadd.s32 s3, s2  }
0x8d: {  	s2 =	sadd.s32 s2, s17  }
0x8e: {  	[smem:$0x3FBF] =	sst s2  }
0x8f: {  	_ = 	snop  }
0x90: {  	s18 =	sld [smem:$0x3FC7]  }
0x91: {  	s4 =	sld [smem:$0x3FD0];
	(tm) =	ssettm $0x1  }
0x92: {  	s19 =	sld [smem:$0x3FFB];
	_ =	sdelay $0x3  }
0x93: {  	_ =	strace s19  }
0x94: {  	s2 =	sld [smem:$0x3FFC];
	_ =	sdelay $0x3  }
0x95: {  	_ =	strace s2  }
0x96: {  	s2 =	sld [smem:$0x3FFD];
	_ =	sdelay $0x3  }
0x97: {  	_ =	strace s2  }
0x98: {  	_ =	strace $0x8FFFFFFF  }
0x99: {  	s20 =	sld [smem:$0x3FDB];
	_ =	sdelay $0x1  }
0x9a: {  	s5 =	simm.s32 $_scs_section_size  }
0x9b: {  	s6 =	simm.s32 $_size__tile_overlayer_lowered;
	s7 =	simm.s32 $_tile_overlayer_lowered  }
0x9c: {  	s8 =	simm.s32 $0x1BFF;
	s21 =	sshll.u32 s7, $0x1;
	s5 =	sadd.s32 s5, s20  }
0x9d: {  	s22 =	simm.s32 $0x0;
	s6 =	sshll.u32 s6, $0x1;
	s7 =	sadd.s32 s21, s5  }
0x9e: {  	[timem:s22], [sflag:s8] =	dma.local [hbm:s7], s6  }
0x9f: {  	_ =	swait.ge [sflag:s8], s6  }
0xa0: {  	s6 =	ssub.s32 $0x0, s6;
	[sflag:s8] =	ssyncset.done $0x0  }
0xa1: {  	[sflag:s8] =	ssyncadd.s32 s6;
	_ =	sdelay $0x1  }
0xa2: {  	s23 =	simm.s32 $0x1B8B  }
0xa3: {  	_ =	swait.ge [sflag:s23], $0x1  }
0xa4: {  	[sflag:s23] =	ssyncset.done $0x0  }
0xa5: {  	[sflag:s23] =	ssyncadd.s32 $0xFFFFFFFF  }
0xa6: {  	s6 =	sld [smem:$0x0]  }
0xa7: {  	s7 =	sand.u32 $0xFFFFFFFE, s1  }
0xa8: {  	p0 =	sne.s32 s1, s7  }
0xa9: {  	s7 =	sshll.u32 @p0 s7, $0xE  }
0xaa: {  	s7 =	sadd.s32 @p0 $0x11B8D, s7;
	s8 =	sshll.u32 @p0 s6, $0x11  }
0xab: {  	s7 =	sor.u32 @p0 s8, s7  }
0xac: {  	[sflag:s7] =	ssyncadd.remote.s32 @p0 $0x1;
	_ =	sdelay $0x1  }
0xad: {  	s7 =	simm.s32 @p0 $0x1B8D  }
0xae: {  	_ =	swait.eq @p0 [sflag:s7], $0x1  }
0xaf: {  	[sflag:s7] =	ssyncadd.s32 @p0 $0xFFFFFFFF  }
0xb0: {  	s8 =	sshll.u32 @!p0 s1, $0xE  }
0xb1: {  	s8 =	sor.u32 @!p0 $0x4000, s8;
	s7 =	simm.s32 @!p0 $0x1B8D  }
0xb2: {  	s6 =	sshll.u32 @!p0 s6, $0x11;
	s8 =	sadd.s32 @!p0 $0x11B8D, s8;
	_ =	swait.eq @!p0 [sflag:s7], $0x1  }
0xb3: {  	s6 =	sor.u32 @!p0 s6, s8;
	[sflag:s7] =	ssyncadd.s32 @!p0 $0xFFFFFFFF  }
0xb4: {  	s25 =	simm.s32 $0x1B8E;
	s24 =	sld [smem:$0x3FFE];
	[sflag:s6] =	ssyncadd.remote.s32 @!p0 $0x1  }
0xb5: {  	s26 =	simm.s32 $execute0_lowered;
	[smem:$0x3FD2] =	sst s25  }
0xb6: {  	s7 =	sshll.u32 s26, $0x1;
	_ =	strace $0x80000049;
	[dreg:$0x1] =	wrdreg $0xFFFFFFFF  }
0xb7: {  	s28 =	simm.s32 $_size_execute0_lowered;
	s5 =	sadd.s32 s5, s7;
	[dreg:$0x0] =	wrdreg $0x0  }
0xb8: {  	s7 =	sshll.u32 s28, $0x1;
	[dreg:$0x2] =	wrdreg s5  }
0xb9: {  	[dreg:$0x3] =	wrdreg s7  }
0xba: {  	[dreg:$0x4] =	wrdreg $0xC0  }
0xbb: {  	_ =	task [dreg:s22], $0x5FFFF  }
0xbc: {  	[dreg:$0x1] =	wrdreg $0xFFFFFFFF  }
0xbd: {  	[dreg:$0x0] =	wrdreg $0x60  }
0xbe: {  	[dreg:$0x2] =	wrdreg s18  }
0xbf: {  	[dreg:$0x3] =	wrdreg s4  }
0xc0: {  	[dreg:$0x4] =	wrdreg s24  }
0xc1: {  	[dreg:$0x5] =	wrdreg $0x120000  }
0xc2: {  	[dreg:$0x6] =	wrdreg $0x9  }
0xc3: {  	_ =	task.clear_ibuf [dreg:s22], $0x7FFFF;
	_ =	strace $0x90000049  }
0xc4: {  	s29 =	simm.s32 $0x9;
	_ =	strace $0x8000004B  }
0xc5: {  	_ =	swait.ge [sflag:s29], $0x1  }
0xc6: {  	[sflag:s29] =	ssyncadd.s32 $0xFFFFFFFF  }
0xc7: {  	_ =	strace $0x9000004B  }
0xc8: {  	_ =	sfence  }
0xc9: {  	s30 =	sld [smem:$0x0];
	_ =	sdelay $0x2  }
0xca: {  	s31 =	sshll.u32 s1, $0xD;
	s1 =	sshrl.u32 s1, $0x2  }
0xcb: {  	s4 =	sand.u32 $0x4000, s31;
	s1 =	sadd.s32 s1, s30  }
0xcc: {  	s0 =	sor.u32 s4, s0;
	s1 =	sshll.u32 s1, $0x11  }
0xcd: {  	s0 =	sor.u32 s1, s0  }
0xce: {  	s0 =	sadd.s32 $0x8F2B, s0  }
0xcf: {  	[sflag:s0] =	ssyncadd.remote.s32 $0x1  }
0xd0: {  	_ =	sfence.sel $0xFFFF  }
0xd1: {  	[dreg:$0x0] =	wrdreg $0xFFFFFFFF;
	(pc) =	sbr.abs _section_cstart, $3  }
0xd2: {  	[dreg:$0x1] =	wrdreg $0xFFFFFFFF  }
0xd3: {  	_ =	task.clear_ibuf [dreg:s22], $0x2FFFF;
	_ =	strace $0x9FFFFFFF  }
0xd4: {  	(tm) =	ssettm $0x7FFFFFFF  }
0xd5: {  	_ =	shalt  }
tec
execute0_lowered:
.L_overlay_start_1:
0x0: {  	(tag) =	ssettag $0x1  }
0x1: {  	s9 =	rddreg [dreg:$0x0]  }
0x2: {  	s7 =	rddreg [dreg:$0x1];
	s0 =	srdreg.scid  }
0x3: {  	s4 =	rddreg [dreg:$0x2];
	s1 =	stileid.u32  }
0x4: {  	s2 =	rddreg [dreg:$0x3];
	s3 =	simm.s32 $0x0;
	s15 =	simm.s32 $0x8000  }
0x5: {  	s16 =	simm.s32 $0xA800;
	s17 =	simm.s32 $0x1;
	s18 =	simm.s32 $0x50  }
0x6: {  	s19 =	simm.s32 $0x2;
	s21 =	simm.s32 $0x7C80;
	s6 =	smul.u32 $0xA000, s1  }
0x7: {  	s8 =	sand.u32 $0x1, s0;
	s0 =	rddreg [dreg:$0x4];
	s28 =	smul.u32 $0x28000, s1  }
0x8: {  	s22 =	simm.s32 $0x0;
	[smem:$0x7FF] =	sst s3;
	s31 =	smul.u32 $0x271000, s1  }
0x9: {  	s13 =	sshll.u32 s1, $0xC;
	s14 =	smul.u32 $0x4E200, s1;
	p0 =	sne.s32 s1, $0x0  }
0xa: {  	s5 =	smul.u32 $0xA0000, s8;
	_ =	strace $0x8000004A;
	s10 =	ssub.s32 $0x2, s8  }
0xb: {  	s7 =	sadd.s32 s7, s13;
	s20 =	smul.u32 $0x1400, s8;
	s13 =	simm.s32 $0xD000  }
0xc: {  	s29 =	sshrl.u32 s10, $0x1;
	s30 =	sshrl.u32 s28, $0x2;
	s8 =	sadd.s32 s9, s14  }
0xd: {  	s14 =	simm.s32 $0x3;
	s5 =	sadd.s32 s6, s5;
	s12 =	ssub.s32 s10, s29  }
0xe: {  	s6 =	sadd.s32 $0xA0000, s2;
	s10 =	sshrl.u32 s31, $0x3;
	s5 =	sshrl.u32 s5, $0x3  }
0xf: {  	s9 =	sadd.s32 s9, s10;
	s11 =	sadd.s32 s5, s4;
	s4 =	sadd.s32 s30, s2  }
0x10: {  	v0 =	vmov s20;
	s20 =	simm.s32 $0x7C00;
	s9 =	sadd.s32 $0x500, s9;
	s5 =	sadd.s32 $0x5000, s4  }
0x11: {  	v1 =	vimm.f32 $0.0e+00;
	s10 =	sadd.s32 $0x29C00, s11;
	s11 =	smax.u32 s12, $0x1;
	s12 =	sadd.s32 $0xF00, s8  }
.LBB2_1:
0x12: {  	s23 =	simm.s32 $0x0;
	s24 =	simm.s32 $0x200  }
.LBB2_2:
0x13: {  	p1 =	sne.s32 s24, $0x13E00;
	[tilespmem:s23+$0xD070] =	vst v1  }
0x14: {  	[tilespmem:s23+$0xD000] =	vst v1  }
0x15: {  	[tilespmem:s23+$0xD010] =	vst v1  }
.Ltmp0:
0x16: {  	[tilespmem:s23+$0xD020] =	vst v1;
	(pc) =	sbr.rel @p1 .LBB2_2-.Ltmp0, $4  }
0x17: {  	[tilespmem:s23+$0xD030] =	vst v1  }
0x18: {  	[tilespmem:s23+$0xD040] =	vst v1  }
0x19: {  	[tilespmem:s23+$0xD050] =	vst v1  }
0x1a: {  	[tilespmem:s23+$0xD060] =	vst v1;
	s23 =	sshra.s32 s24, $0x2;
	s24 =	sadd.s32 $0x200, s24  }
0x1b: {  	[tilespmem:s23+$0xD070] =	vst v1  }
0x1c: {  	[tilespmem:s23+$0xD000] =	vst v1  }
0x1d: {  	[tilespmem:s23+$0xD010] =	vst v1  }
0x1e: {  	[tilespmem:s23+$0xD020] =	vst v1  }
0x1f: {  	[tilespmem:s23+$0xD030] =	vst v1  }
0x20: {  	[tilespmem:s23+$0xD040] =	vst v1  }
0x21: {  	[tilespmem:s23+$0xD050] =	vst v1  }
0x22: {  	[tilespmem:s23+$0xD060] =	vst v1  }
0x23: {  	[spmem:s4] =	stream.linear.scatter [tilespmem:s13], [sflag:$0x3], $0x5000, $0x38;
	[tilespmem:$0x1C040] =	vst v63  }
0x24: {  	_ =	swait.ge [sflag:s14], $0x5000  }
0x25: {  	[sflag:s14] =	ssyncset.done $0x0  }
0x26: {  	[sflag:s14] =	ssyncadd.s32 $0xFFFFB000  }
0x27: {  	[spmem:s5] =	stream.linear.scatter [tilespmem:s13], [sflag:$0x3], $0x5000, $0x38;
	[tilespmem:$0x1C040] =	vst v63  }
0x28: {  	_ =	swait.ge [sflag:s14], $0x5000  }
0x29: {  	[sflag:s14] =	ssyncset.done $0x0  }
0x2a: {  	s23 =	simm.s32 @!p0 $0xD000;
	[sflag:s14] =	ssyncadd.s32 $0xFFFFB000  }
0x2b: {  	[spmem:s6] =	stream.linear.scatter @!p0 [tilespmem:s23], [sflag:$0x3], $0x400, $0x38;
	[tilespmem:$0x1C040] =	vst v63  }
0x2c: {  	s23 =	simm.s32 @!p0 $0x3  }
0x2d: {  	_ =	swait.ge @!p0 [sflag:s23], $0x400  }
0x2e: {  	[sflag:s23] =	ssyncset.done @!p0 $0x0  }
0x2f: {  	[sflag:s23] =	ssyncadd.s32 @!p0 $0xFFFFFC00  }
0x30: {  	s31 =	simm.s32 $0x0;
	[bflag:$0x0] =	sbarrier.arrive $0xFFFF  }
0x31: {  	[tilespmem:s31], [sflag:$0x3] =	stream.linear.gather [hbm4b:s7+s31], $0x7D00, $0x38;
	[tilespmem:$0x1C040] =	vst v63  }
0x32: {  	_ =	swait.ge [sflag:s14], $0x7D00  }
0x33: {  	[sflag:s14] =	ssyncset.done $0x0  }
0x34: {  	s23 =	simm.s32 $0x0;
	[sflag:s14] =	ssyncadd.s32 $0xFFFF8300  }
0x35: {  	v4 =	vld [tilespmem:s23+$0x0]  }
0x36: {  	v5 =	vld [tilespmem:s23+$0x10]  }
0x37: {  	v3 =	vld [tilespmem:s23+$0x20]  }
0x38: {  	s24 =	simm.s32 $0x200;
	v2 =	vld [tilespmem:s23+$0x30]  }
.LBB2_4:
0x39: {  	p1 =	sne.s32 s24, $0x1F200;
	v6 =	vld [tilespmem:s23+$0x40]  }
0x3a: {  	v4 =	vsub.s32 v4, v0  }
0x3b: {  	v4 =	vmin.u32 v4, $0x1400;
	v5 =	vsub.s32 v5, v0  }
.Ltmp1:
0x3c: {  	s25 =	sshra.s32 s24, $0x2;
	[tilespmem:s23+$0x0] =	vst v4;
	v5 =	vmin.u32 v5, $0x1400;
	v3 =	vsub.s32 v3, v0;
	(pc) =	sbr.rel @p1 .LBB2_4-.Ltmp1, $4  }
0x3d: {  	v4 =	vld [tilespmem:s25+$0x0];
	[tilespmem:s23+$0x10] =	vst v5;
	v3 =	vmin.u32 v3, $0x1400;
	v2 =	vsub.s32 v2, v0  }
0x3e: {  	v5 =	vld [tilespmem:s25+$0x10];
	[tilespmem:s23+$0x20] =	vst v3;
	v2 =	vmin.u32 v2, $0x1400;
	v6 =	vsub.s32 v6, v0  }
0x3f: {  	v3 =	vld [tilespmem:s25+$0x20];
	[tilespmem:s23+$0x30] =	vst v2;
	v6 =	vmin.u32 v6, $0x1400  }
0x40: {  	s24 =	sadd.s32 $0x200, s24;
	v2 =	vld [tilespmem:s25+$0x30];
	[tilespmem:s23+$0x40] =	vst v6;
	s23 =	smov.u32 s25  }
0x41: {  	v6 =	vld [tilespmem:s23+$0x40]  }
0x42: {  	v4 =	vsub.s32 v4, v0  }
0x43: {  	v4 =	vmin.u32 v4, $0x1400;
	v5 =	vsub.s32 v5, v0  }
0x44: {  	[tilespmem:s23+$0x0] =	vst v4;
	v63 =	vmin.u32 v5, $0x1400;
	v3 =	vsub.s32 v3, v0  }
0x45: {  	[tilespmem:s23+$0x10] =	vst v63;
	v3 =	vmin.u32 v3, $0x1400;
	v2 =	vsub.s32 v2, v0  }
0x46: {  	[tilespmem:s23+$0x20] =	vst v3;
	v2 =	vmin.u32 v2, $0x1400;
	v3 =	vsub.s32 v6, v0  }
0x47: {  	[tilespmem:s23+$0x30] =	vst v2;
	v2 =	vmin.u32 v3, $0x1400  }
0x48: {  	s28 =	simm.s32 $0x0;
	[tilespmem:s23+$0x40] =	vst v2  }
0x49: {  	[tilespmem:s15], [sflag:$0x1] =	stream.linear.gather [hbm4b:s8+s28], $0x2800, $0x38;
	[tilespmem:$0x1C040] =	vst v63  }
0x4a: {  	_ = 	snop  }
0x4b: {  	[tilespmem:s16], [sflag:$0x2] =	stream.linear.gather [hbm4b:s9+s28], $0x2800, $0x38;
	[tilespmem:$0x1C040] =	vst v63  }
0x4c: {  	_ =	swait.ge [sflag:s17], $0x2800  }
0x4d: {  	[sflag:s17] =	ssyncset.done $0x0  }
0x4e: {  	s29 =	simm.s32 $0x0;
	[sflag:s17] =	ssyncadd.s32 $0xFFFFD800  }
0x4f: {  	[spmem:s2] =	stream.indirect.scatter.add.f32 [tilespmem:s15], [sflag:$0x3], $0x80, s29, s18, $0xb8;
	[tilespmem:$0x1C040] =	vst v63  }
0x50: {  	_ =	swait.ge [sflag:s14], $0x2800  }
0x51: {  	[sflag:s14] =	ssyncset.done $0x0  }
0x52: {  	s30 =	sadd.s32 $0xFFFFFB00, s12;
	[sflag:s14] =	ssyncadd.s32 $0xFFFFD800  }
0x53: {  	[tilespmem:s15], [sflag:$0x1] =	stream.linear.gather [hbm4b:s30+s3], $0x2800, $0x38;
	[tilespmem:$0x1C040] =	vst v63  }
0x54: {  	_ =	swait.ge [sflag:s19], $0x2800  }
0x55: {  	[sflag:s19] =	ssyncset.done $0x0  }
0x56: {  	s31 =	simm.s32 $0x80;
	[sflag:s19] =	ssyncadd.s32 $0xFFFFD800  }
0x57: {  	[spmem:s2] =	stream.indirect.scatter.add.f32 [tilespmem:s16], [sflag:$0x3], $0x80, s31, s18, $0xb8;
	[tilespmem:$0x1C040] =	vst v63  }
0x58: {  	_ =	swait.ge [sflag:s14], $0x2800  }
0x59: {  	s24 =	sadd.s32 $0xA00, s12;
	[sflag:s14] =	ssyncset.done $0x0  }
0x5a: {  	s25 =	smov.u32 s12;
	s23 =	simm.s32 $0x400;
	[sflag:s14] =	ssyncadd.s32 $0xFFFFD800  }
.LBB2_6:
0x5b: {  	[tilespmem:s16], [sflag:$0x2] =	stream.linear.gather [hbm4b:s25+s3], $0x2800, $0x38;
	[tilespmem:$0x1C040] =	vst v63  }
0x5c: {  	s26 =	smov.u32 s23;
	s25 =	smov.u32 s24  }
0x5d: {  	p1 =	sne.s32 s23, $0x1EC00;
	s23 =	sadd.s32 $0x400, s23;
	_ =	swait.ge [sflag:s17], $0x2800  }
0x5e: {  	[sflag:s17] =	ssyncset.done $0x0  }
0x5f: {  	s26 =	sshra.s32 s26, $0x2;
	[sflag:s17] =	ssyncadd.s32 $0xFFFFD800  }
0x60: {  	[spmem:s2] =	stream.indirect.scatter.add.f32 [tilespmem:s15], [sflag:$0x3], $0x80, s26, s18, $0xb8;
	[tilespmem:$0x1C040] =	vst v63  }
0x61: {  	_ =	swait.ge [sflag:s14], $0x2800  }
0x62: {  	[sflag:s14] =	ssyncset.done $0x0  }
0x63: {  	s28 =	sadd.s32 $0xFFFFFB00, s24;
	[sflag:s14] =	ssyncadd.s32 $0xFFFFD800  }
0x64: {  	[tilespmem:s15], [sflag:$0x1] =	stream.linear.gather [hbm4b:s28+s3], $0x2800, $0x38;
	[tilespmem:$0x1C040] =	vst v63  }
0x65: {  	_ =	swait.ge [sflag:s19], $0x2800  }
0x66: {  	[sflag:s19] =	ssyncset.done $0x0  }
.Ltmp2:
0x67: {  	s26 =	sadd.s32 $0x80, s26;
	[sflag:s19] =	ssyncadd.s32 $0xFFFFD800;
	(pc) =	sbr.rel @p1 .LBB2_6-.Ltmp2, $4  }
0x68: {  	[spmem:s2] =	stream.indirect.scatter.add.f32 [tilespmem:s16], [sflag:$0x3], $0x80, s26, s18, $0xb8;
	[tilespmem:$0x1C040] =	vst v63  }
0x69: {  	_ =	swait.ge [sflag:s14], $0x2800  }
0x6a: {  	[sflag:s14] =	ssyncset.done $0x0  }
0x6b: {  	s24 =	sadd.s32 $0xA00, s24;
	[sflag:s14] =	ssyncadd.s32 $0xFFFFD800  }
0x6c: {  	[tilespmem:s16], [sflag:$0x2] =	stream.linear.gather [hbm4b:s25+s3], $0x2800, $0x38;
	[tilespmem:$0x1C040] =	vst v63  }
0x6d: {  	_ =	swait.ge [sflag:s17], $0x2800  }
0x6e: {  	[sflag:s17] =	ssyncset.done $0x0  }
0x6f: {  	[sflag:s17] =	ssyncadd.s32 $0xFFFFD800  }
0x70: {  	[spmem:s2] =	stream.indirect.scatter.add.f32 [tilespmem:s15], [sflag:$0x3], $0x80, s20, s18, $0xb8;
	[tilespmem:$0x1C040] =	vst v63  }
0x71: {  	_ =	swait.ge [sflag:s14], $0x2800  }
0x72: {  	[sflag:s14] =	ssyncset.done $0x0  }
0x73: {  	[sflag:s14] =	ssyncadd.s32 $0xFFFFD800  }
0x74: {  	_ =	swait.ge [sflag:s19], $0x2800  }
0x75: {  	[sflag:s19] =	ssyncset.done $0x0  }
0x76: {  	[sflag:s19] =	ssyncadd.s32 $0xFFFFD800  }
0x77: {  	[spmem:s2] =	stream.indirect.scatter.add.f32 [tilespmem:s16], [sflag:$0x3], $0x80, s21, s18, $0xb8;
	[tilespmem:$0x1C040] =	vst v63  }
0x78: {  	_ =	swait.ge [sflag:s14], $0x2800  }
0x79: {  	s23 =	sshll.u32 s1, $0x6;
	s22 =	sadd.s32 $0x1, s22;
	[sflag:s14] =	ssyncset.done $0x0  }
0x7a: {  	s24 =	sshrl.u32 s4, $0x3;
	p1 =	sne.s32 s22, s11;
	[sflag:s14] =	ssyncadd.s32 $0xFFFFD800  }
.Ltmp3:
0x7b: {  	s23 =	sor.u32 $0x1C03, s23;
	[bflag:$0x0] =	sbarrier.arrive $0xFFFF;
	(pc) =	sbr.rel @p1 .LBB2_1-.Ltmp3, $4  }
0x7c: {  	[hbm:s10], [sflag:s23] =	dma.local [spmem:s24], $0x1400  }
0x7d: {  	_ =	swait.ge [sflag:s14], $0x1400  }
0x7e: {  	[sflag:s14] =	ssyncset.done $0x0  }
0x7f: {  	[sflag:s14] =	ssyncadd.s32 $0xFFFFEC00  }
0x80: {  	_ =	sfence.sel $0x180000  }
0x81: {  	[bflag:$0x0] =	sbarrier.arrive $0xFFFF  }
0x82: {  	_ =	strace $0x9000004A  }
0x83: {  	s0 =	sadd.s32 @!p0 $0x100000, s0;
	[bflag:$0x2] =	sbarrier.arrive $0xFFFF  }
0x84: {  	[sflag:s0] =	ssyncadd.tile.s32 @!p0 $0x1;
	_ =	shalt  }
.Lfunc_end2:
_tile_overlayer_lowered:
.L_overlay_start_2:
0x85: {  	(tag) =	ssettag $0x2  }
0x86: {  	s0 =	rddreg [dreg:$0x0];
	s2 =	stileid.u32  }
0x87: {  	s1 =	rddreg [dreg:$0x1];
	p0 =	sne.s32 s2, $0x0  }
0x88: {  	s3 =	rddreg [dreg:$0x2];
	[bflag:$0x3] =	sbarrier.arrive $0xFFFF;
	s2 =	simm.s32 @!p0 $0x1C03  }
0x89: {  	[timem:s3], [sflag:s2] =	dma.local @!p0 [hbm:s0], s1  }
0x8a: {  	s0 =	simm.s32 @!p0 $0x3  }
0x8b: {  	_ =	swait.ge @!p0 [sflag:s0], s1  }
0x8c: {  	s1 =	ssub.s32 @!p0 $0x0, s1;
	[sflag:s0] =	ssyncset.done @!p0 $0x0  }
0x8d: {  	[sflag:s0] =	ssyncadd.s32 @!p0 s1  }
0x8e: {  	[bflag:$0x3] =	sbarrier.arrive $0xFFFF  }
0x8f: {  	_ =	shalt  }

// kernel: kernel.8.cloned.1.call-start
scs
__scs_entry_jumppad:
0x0: {  	(pc) =	sbr.rel $0x88, $3  }
0x1: {  	(tag) =	ssettag $0x0;
	lr =	simm.s32 $0x1  }
0x2: {  	[smem:$0x3F98] =	sst lr;
	_ =	strace $0xD0000000  }
0x3: {  	_ = 	snop  }
0x4: {  	_ = 	snop  }
0x5: {  	_ = 	snop  }
0x6: {  	_ = 	snop  }
0x7: {  	_ = 	snop  }
__scs_overlays_trampoline_lowered:
0x8: {  	[smem:$0x3FA7] =	sst s0  }
0x9: {  	[smem:$0x3FA8] =	sst s1  }
0xa: {  	[smem:$0x3FA9] =	sst s2  }
0xb: {  	[smem:$0x3FAA] =	sst s3  }
0xc: {  	[smem:$0x3FAB] =	sst s4  }
0xd: {  	[smem:$0x3FAC] =	sst s5  }
0xe: {  	[smem:$0x3FAD] =	sst s6  }
0xf: {  	[smem:$0x3FAE] =	sst s7  }
0x10: {  	[smem:$0x3FAF] =	sst s8  }
0x11: {  	[smem:$0x3FB0] =	sst s9;
	s0 =	simm.s32 @!p0 $0x0  }
0x12: {  	s1 =	sld [smem:$0x3F96];
	s0 =	simm.s32 @p0 $0x1  }
0x13: {  	[smem:$0x3FB1] =	sst s0;
	s0 =	simm.s32 @!p1 $0x0  }
0x14: {  	s2 =	sld [smem:$0x3F95];
	s0 =	simm.s32 @p1 $0x1  }
0x15: {  	[smem:$0x3FB2] =	sst s0;
	s0 =	simm.s32 @!p2 $0x0  }
0x16: {  	s3 =	sld [smem:$0x3FDB];
	s0 =	simm.s32 @p2 $0x1  }
0x17: {  	s4 =	simm.s32 $0x1BF5;
	[smem:$0x3FB4] =	sst s0  }
0x18: {  	s0 =	sld [smem:$0x3F97];
	_ =	swait.ge [sflag:s4], $0x0  }
0x19: {  	s7 =	sld [smem:$0x3F98]  }
0x1a: {  	s8 =	sadd.s32 $0xFFFFE003, lr  }
0x1b: {  	s9 =	sadd.s32 $0xFFFFFEF7, lr;
	s5 =	simm.s32 $0xFFFFFFFF;
	p2 =	slt.u32 s8, $0xFFFFF086  }
0x1c: {  	p1 =	slt.u32 s9, $0xF7A;
	s5 =	simm.s32 @!p2 $0x0  }
0x1d: {  	s5 =	simm.s32 @p1 $0x1;
	p0 =	seq.s32 s7, s2  }
0x1e: {  	s7 =	smul.u32 @!p0 $0xF7A, s2;
	p2 =	seq.s32 @!p0 s5, $0x0  }
0x1f: {  	s9 =	smul.u32 $0xF7A, s1;
	s8 =	simm.s32 @!p0 $0x1BF5;
	p2 =	por !p2, p0  }
0x20: {  	[sflag:s8] =	ssyncset.s32 @!p0 $0xFFFFF086;
	s6 =	sadd.s32 @!p0 s3, s7;
	s7 =	simm.s32 @!p0 $0x108  }
0x21: {  	s3 =	sadd.s32 s3, s9;
	s6 =	sadd.s32 @!p0 $0x88, s6;
	s7 =	simm.s32 @p2 $0x1082  }
0x22: {  	[simem:s7], [sflag:s8] =	dma.local @!p0 [hbm:s6], $0xF7A  }
0x23: {  	s9 =	sor.u32 $0xD0000000, s2;
	s6 =	simm.s32 $0x108;
	_ =	swait.ge @!p0 [sflag:s8], $0x0  }
0x24: {  	s3 =	sadd.s32 $0x88, s3;
	s6 =	simm.s32 @!p1 $0x1082;
	[sflag:s4] =	ssyncset.s32 $0xFFFFF086  }
0x25: {  	[simem:s6], [sflag:s4] =	dma.local [hbm:s3], $0xF7A  }
0x26: {  	[smem:$0x3F98] =	sst s1;
	(tag) =	ssettag s2;
	_ =	strace s9  }
0x27: {  	s1 =	sld [smem:$0x3FA8]  }
0x28: {  	s2 =	sld [smem:$0x3FA9]  }
0x29: {  	s4 =	sld [smem:$0x3FAB]  }
0x2a: {  	p0 =	seq.s32 s5, $0x0;
	s5 =	sld [smem:$0x3FAC]  }
0x2b: {  	s6 =	sld [smem:$0x3FAD]  }
0x2c: {  	s7 =	sld [smem:$0x3FAE]  }
0x2d: {  	s3 =	simm.s32 $0x108;
	s8 =	sld [smem:$0x3FAF]  }
0x2e: {  	s3 =	simm.s32 @!p0 $0x1082;
	s9 =	sld [smem:$0x3FB0]  }
0x2f: {  	lr =	sadd.s32 s0, s3;
	s0 =	sld [smem:$0x3FA7]  }
0x30: {  	s3 =	sld [smem:$0x3FAA]  }
0x31: {  	[smem:$0x3FB3] =	sst s10  }
0x32: {  	s10 =	sld [smem:$0x3FB1];
	_ =	sdelay $0x3  }
0x33: {  	p0 =	seq.s32 s10, $0x1;
	s10 =	sld [smem:$0x3FB3];
	_ =	sdelay $0x3  }
0x34: {  	[smem:$0x3FB3] =	sst s10  }
0x35: {  	s10 =	sld [smem:$0x3FB2];
	_ =	sdelay $0x3  }
0x36: {  	p1 =	seq.s32 s10, $0x1;
	s10 =	sld [smem:$0x3FB3];
	_ =	sdelay $0x3  }
0x37: {  	[smem:$0x3FB3] =	sst s10  }
0x38: {  	s10 =	sld [smem:$0x3FB4]  }
0x39: {  	_ = 	snop;
	(pc) =	sbr.ind lr, $3  }
0x3a: {  	_ = 	snop  }
0x3b: {  	_ = 	snop  }
0x3c: {  	p2 =	seq.s32 s10, $0x1;
	s10 =	sld [smem:$0x3FB3]  }
0x3d: {  	_ =	shalt  }
0x3e: {  	_ =	shalt  }
0x3f: {  	_ =	shalt  }
0x40: {  	_ =	shalt  }
0x41: {  	_ =	shalt  }
0x42: {  	_ =	shalt  }
0x43: {  	_ =	shalt  }
0x44: {  	_ =	shalt  }
0x45: {  	_ =	shalt  }
0x46: {  	_ =	shalt  }
0x47: {  	_ =	shalt  }
0x48: {  	_ =	shalt  }
0x49: {  	_ =	shalt  }
0x4a: {  	_ =	shalt  }
0x4b: {  	_ =	shalt  }
0x4c: {  	_ =	shalt  }
0x4d: {  	_ =	shalt  }
0x4e: {  	_ =	shalt  }
0x4f: {  	_ =	shalt  }
0x50: {  	_ =	shalt  }
0x51: {  	_ =	shalt  }
0x52: {  	_ =	shalt  }
0x53: {  	_ =	shalt  }
0x54: {  	_ =	shalt  }
0x55: {  	_ =	shalt  }
0x56: {  	_ =	shalt  }
0x57: {  	_ =	shalt  }
0x58: {  	_ =	shalt  }
0x59: {  	_ =	shalt  }
0x5a: {  	_ =	shalt  }
0x5b: {  	_ =	shalt  }
0x5c: {  	_ =	shalt  }
0x5d: {  	_ =	shalt  }
0x5e: {  	_ =	shalt  }
0x5f: {  	_ =	shalt  }
0x60: {  	_ =	shalt  }
0x61: {  	_ =	shalt  }
0x62: {  	_ =	shalt  }
0x63: {  	_ =	shalt  }
0x64: {  	_ =	shalt  }
0x65: {  	_ =	shalt  }
0x66: {  	_ =	shalt  }
0x67: {  	_ =	shalt  }
0x68: {  	_ =	shalt  }
0x69: {  	_ =	shalt  }
0x6a: {  	_ =	shalt  }
0x6b: {  	_ =	shalt  }
0x6c: {  	_ =	shalt  }
0x6d: {  	_ =	shalt  }
0x6e: {  	_ =	shalt  }
0x6f: {  	_ =	shalt  }
0x70: {  	_ =	shalt  }
0x71: {  	_ =	shalt  }
0x72: {  	_ =	shalt  }
0x73: {  	_ =	shalt  }
0x74: {  	_ =	shalt  }
0x75: {  	_ =	shalt  }
0x76: {  	_ =	shalt  }
0x77: {  	_ =	shalt  }
0x78: {  	_ =	shalt  }
0x79: {  	_ =	shalt  }
0x7a: {  	_ =	shalt  }
0x7b: {  	_ =	shalt  }
0x7c: {  	_ =	shalt  }
0x7d: {  	_ =	shalt  }
0x7e: {  	_ =	shalt  }
0x7f: {  	_ =	shalt  }
0x80: {  	_ =	shalt  }
0x81: {  	_ =	shalt  }
0x82: {  	_ =	shalt  }
0x83: {  	_ =	shalt  }
0x84: {  	_ =	shalt  }
0x85: {  	_ =	shalt  }
0x86: {  	_ =	shalt  }
0x87: {  	_ =	shalt  }
.Lfunc_end0:
.L_simem_size_0:
called_computation.1_lowered:
.L_overlay_start_0:
0x88: {  	s2 =	sld [smem:$0x3FD9]  }
0x89: {  	s3 =	sld [smem:$0x3FFE];
	_ =	sdelay $0x1  }
0x8a: {  	s1 =	srdreg.scid  }
0x8b: {  	s0 =	sand.u32 $0x1, s1  }
0x8c: {  	s17 =	sshll.u32 s0, $0xA;
	s2 =	sadd.s32 s3, s2  }
0x8d: {  	s2 =	sadd.s32 s2, s17  }
0x8e: {  	[smem:$0x3FBF] =	sst s2  }
0x8f: {  	_ = 	snop  }
0x90: {  	s2 =	sld [smem:$0x3FD0];
	(tm) =	ssettm $0x1  }
0x91: {  	s18 =	sld [smem:$0x3FFB];
	_ =	sdelay $0x3  }
0x92: {  	_ =	strace s18  }
0x93: {  	s3 =	sld [smem:$0x3FFC];
	_ =	sdelay $0x3  }
0x94: {  	_ =	strace s3  }
0x95: {  	s3 =	sld [smem:$0x3FFD];
	_ =	sdelay $0x3  }
0x96: {  	_ =	strace s3  }
0x97: {  	_ =	strace $0x8FFFFFFF  }
0x98: {  	s19 =	sld [smem:$0x3FDB];
	_ =	sdelay $0x1  }
0x99: {  	s4 =	simm.s32 $_scs_section_size  }
0x9a: {  	s5 =	simm.s32 $_size__tile_overlayer_lowered;
	s6 =	simm.s32 $_tile_overlayer_lowered  }
0x9b: {  	s22 =	simm.s32 $0x1BFF;
	s21 =	sshll.u32 s6, $0x1;
	s3 =	sadd.s32 s4, s19  }
0x9c: {  	s7 =	simm.s32 $0x0;
	s20 =	sshll.u32 s5, $0x1;
	s5 =	sadd.s32 s21, s3  }
0x9d: {  	[timem:s7], [sflag:s22] =	dma.local [hbm:s5], s20  }
0x9e: {  	_ =	swait.ge [sflag:s22], s20  }
0x9f: {  	s4 =	ssub.s32 $0x0, s20;
	[sflag:s22] =	ssyncset.done $0x0  }
0xa0: {  	[sflag:s22] =	ssyncadd.s32 s4;
	_ =	sdelay $0x1  }
0xa1: {  	s23 =	simm.s32 $0x1B8B  }
0xa2: {  	_ =	swait.ge [sflag:s23], $0x1  }
0xa3: {  	[sflag:s23] =	ssyncset.done $0x0  }
0xa4: {  	s25 =	simm.s32 $0x1B8E;
	s24 =	sld [smem:$0x3FFE];
	[sflag:s23] =	ssyncadd.s32 $0xFFFFFFFF  }
0xa5: {  	s26 =	simm.s32 $execute0_lowered;
	[smem:$0x3FD2] =	sst s25  }
0xa6: {  	s5 =	sshll.u32 s26, $0x1;
	_ =	strace $0x80000046;
	[dreg:$0x1] =	wrdreg $0xFFFFFFFF  }
0xa7: {  	s28 =	simm.s32 $_size_execute0_lowered;
	s3 =	sadd.s32 s3, s5;
	[dreg:$0x0] =	wrdreg $0x0  }
0xa8: {  	s5 =	sshll.u32 s28, $0x1;
	[dreg:$0x2] =	wrdreg s3  }
0xa9: {  	[dreg:$0x3] =	wrdreg s5  }
0xaa: {  	[dreg:$0x4] =	wrdreg $0xC0  }
0xab: {  	_ =	task [dreg:s7], $0x5FFFF  }
0xac: {  	[dreg:$0x1] =	wrdreg $0xFFFFFFFF  }
0xad: {  	[dreg:$0x0] =	wrdreg $0x60  }
0xae: {  	[dreg:$0x2] =	wrdreg s2  }
0xaf: {  	[dreg:$0x3] =	wrdreg s24  }
0xb0: {  	[dreg:$0x4] =	wrdreg $0xF8000  }
0xb1: {  	[dreg:$0x5] =	wrdreg $0xA  }
0xb2: {  	_ =	task.clear_ibuf [dreg:s7], $0x6FFFF;
	_ =	strace $0x90000046  }
0xb3: {  	s29 =	simm.s32 $0xA;
	_ =	strace $0x80000048  }
0xb4: {  	_ =	swait.ge [sflag:s29], $0x1  }
0xb5: {  	[sflag:s29] =	ssyncadd.s32 $0xFFFFFFFF  }
0xb6: {  	_ =	strace $0x90000048  }
0xb7: {  	_ =	sfence  }
0xb8: {  	s30 =	sld [smem:$0x0];
	_ =	sdelay $0x2  }
0xb9: {  	s31 =	sshll.u32 s1, $0xD;
	s1 =	sshrl.u32 s1, $0x2  }
0xba: {  	s3 =	sand.u32 $0x4000, s31;
	s1 =	sadd.s32 s1, s30  }
0xbb: {  	s0 =	sor.u32 s3, s0;
	s1 =	sshll.u32 s1, $0x11  }
0xbc: {  	s0 =	sor.u32 s1, s0  }
0xbd: {  	s0 =	sadd.s32 $0x8F2B, s0  }
0xbe: {  	[sflag:s0] =	ssyncadd.remote.s32 $0x1  }
0xbf: {  	_ =	sfence.sel $0xFFFF  }
0xc0: {  	[dreg:$0x0] =	wrdreg $0xFFFFFFFF;
	(pc) =	sbr.abs _section_cstart, $3  }
0xc1: {  	[dreg:$0x1] =	wrdreg $0xFFFFFFFF  }
0xc2: {  	_ =	task.clear_ibuf [dreg:s7], $0x2FFFF;
	_ =	strace $0x9FFFFFFF  }
0xc3: {  	(tm) =	ssettm $0x7FFFFFFF  }
tec
execute0_lowered:
.L_overlay_start_1:
0x0: {  	(tag) =	ssettag $0x1  }
0x1: {  	s6 =	rddreg [dreg:$0x0]  }
0x2: {  	s3 =	rddreg [dreg:$0x1];
	s0 =	srdreg.scid  }
0x3: {  	s1 =	rddreg [dreg:$0x2];
	s12 =	stileid.u32;
	s2 =	simm.s32 $0x0  }
0x4: {  	s7 =	sand.u32 $0x1, s0;
	s0 =	rddreg [dreg:$0x3];
	s5 =	smul.u32 $0xA000, s12  }
0x5: {  	s11 =	simm.s32 $0x50;
	[smem:$0x7FF] =	sst s2;
	s8 =	smul.u32 $0x28000, s12  }
0x6: {  	s31 =	sshll.u32 s12, $0xC;
	p0 =	sne.s32 s12, $0x0;
	s14 =	sshll.u32 s12, $0x6  }
0x7: {  	s12 =	simm.s32 $0x8000;
	s4 =	smul.u32 $0xA0000, s7;
	_ =	strace $0x80000047  }
0x8: {  	s30 =	ssub.s32 $0x2, s7;
	s6 =	sadd.s32 s6, s31;
	s13 =	smul.u32 $0x1400, s7  }
0x9: {  	s14 =	sor.u32 $0x1C02, s14;
	s9 =	sshrl.u32 s30, $0x1;
	s4 =	sadd.s32 s5, s4  }
0xa: {  	s8 =	sshrl.u32 s8, $0x2;
	s9 =	ssub.s32 s30, s9;
	s4 =	sshrl.u32 s4, $0x3  }
0xb: {  	s5 =	sadd.s32 $0xA0000, s1;
	v0 =	vmov s13;
	s13 =	simm.s32 $0x1;
	s10 =	sadd.s32 s4, s3  }
0xc: {  	s3 =	sadd.s32 s8, s1;
	s8 =	smax.u32 s9, $0x1;
	s9 =	simm.s32 $0xA800  }
0xd: {  	v1 =	vimm.f32 $0.0e+00;
	v2 =	vimm.f32 $1.000000000e+00;
	s4 =	sadd.s32 $0x5000, s3;
	s7 =	sadd.s32 $0x1C00, s10;
	s10 =	simm.s32 $0x2  }
.LBB2_1:
0xe: {  	s15 =	simm.s32 $0x0  }
.LBB2_2:
0xf: {  	p1 =	sne.s32 s15, $0x13E00  }
.Ltmp0:
0x10: {  	_ = 	snop;
	(pc) =	sbr.rel @p1 .LBB2_2-.Ltmp0, $3  }
0x11: {  	_ =	sdelay $0x1  }
0x12: {  	s16 =	sshra.s32 s15, $0x2  }
0x13: {  	s15 =	sadd.s32 $0x200, s15;
	[tilespmem:s16+$0xA800] =	vst v1  }
0x14: {  	s15 =	simm.s32 $0x200;
	s16 =	simm.s32 $0x0  }
.LBB2_4:
0x15: {  	p1 =	sne.s32 s15, $0x9E00;
	[tilespmem:s16+$0x8000] =	vst v2;
	s16 =	smov.u32 s15;
	s15 =	sadd.s32 $0x200, s15  }
.Ltmp1:
0x16: {  	(pc) =	sbr.rel @p1 .LBB2_4-.Ltmp1, $2  }
0x17: {  	_ =	sdelay $0x2  }
0x18: {  	s16 =	sshra.s32 s16, $0x2  }
0x19: {  	[tilespmem:s16+$0x8000] =	vst v2  }
0x1a: {  	[spmem:s3] =	stream.linear.scatter [tilespmem:s9], [sflag:$0x2], $0x5000, $0x38;
	[tilespmem:$0x10C08] =	vst v63  }
0x1b: {  	_ =	swait.ge [sflag:s10], $0x5000  }
0x1c: {  	[sflag:s10] =	ssyncset.done $0x0  }
0x1d: {  	[sflag:s10] =	ssyncadd.s32 $0xFFFFB000  }
0x1e: {  	[spmem:s4] =	stream.linear.scatter [tilespmem:s9], [sflag:$0x2], $0x5000, $0x38;
	[tilespmem:$0x10C08] =	vst v63  }
0x1f: {  	_ =	swait.ge [sflag:s10], $0x5000  }
0x20: {  	[sflag:s10] =	ssyncset.done $0x0  }
0x21: {  	s15 =	simm.s32 @!p0 $0xA800;
	[sflag:s10] =	ssyncadd.s32 $0xFFFFB000  }
0x22: {  	[spmem:s5] =	stream.linear.scatter @!p0 [tilespmem:s15], [sflag:$0x2], $0x400, $0x38;
	[tilespmem:$0x10C08] =	vst v63  }
0x23: {  	s15 =	simm.s32 @!p0 $0x2  }
0x24: {  	_ =	swait.ge @!p0 [sflag:s15], $0x400  }
0x25: {  	[sflag:s15] =	ssyncset.done @!p0 $0x0  }
0x26: {  	[sflag:s15] =	ssyncadd.s32 @!p0 $0xFFFFFC00  }
0x27: {  	s31 =	simm.s32 $0x0;
	[bflag:$0x0] =	sbarrier.arrive $0xFFFF  }
0x28: {  	[tilespmem:s31], [sflag:$0x2] =	stream.linear.gather [hbm4b:s6+s31], $0x7D00, $0x38;
	[tilespmem:$0x10C08] =	vst v63  }
0x29: {  	_ =	swait.ge [sflag:s10], $0x7D00  }
0x2a: {  	[sflag:s10] =	ssyncset.done $0x0  }
0x2b: {  	s15 =	simm.s32 $0x0;
	[sflag:s10] =	ssyncadd.s32 $0xFFFF8300  }
0x2c: {  	v5 =	vld [tilespmem:s15+$0x0]  }
0x2d: {  	v6 =	vld [tilespmem:s15+$0x10]  }
0x2e: {  	v4 =	vld [tilespmem:s15+$0x20]  }
0x2f: {  	s16 =	simm.s32 $0x200;
	v3 =	vld [tilespmem:s15+$0x30]  }
.LBB2_6:
0x30: {  	p1 =	sne.s32 s16, $0x1F200;
	v7 =	vld [tilespmem:s15+$0x40]  }
0x31: {  	v5 =	vsub.s32 v5, v0  }
0x32: {  	v5 =	vmin.u32 v5, $0x1400;
	v6 =	vsub.s32 v6, v0  }
.Ltmp2:
0x33: {  	s17 =	sshra.s32 s16, $0x2;
	[tilespmem:s15+$0x0] =	vst v5;
	v6 =	vmin.u32 v6, $0x1400;
	v4 =	vsub.s32 v4, v0;
	(pc) =	sbr.rel @p1 .LBB2_6-.Ltmp2, $4  }
0x34: {  	v5 =	vld [tilespmem:s17+$0x0];
	[tilespmem:s15+$0x10] =	vst v6;
	v4 =	vmin.u32 v4, $0x1400;
	v3 =	vsub.s32 v3, v0  }
0x35: {  	v6 =	vld [tilespmem:s17+$0x10];
	[tilespmem:s15+$0x20] =	vst v4;
	v3 =	vmin.u32 v3, $0x1400;
	v7 =	vsub.s32 v7, v0  }
0x36: {  	v4 =	vld [tilespmem:s17+$0x20];
	[tilespmem:s15+$0x30] =	vst v3;
	v7 =	vmin.u32 v7, $0x1400  }
0x37: {  	s16 =	sadd.s32 $0x200, s16;
	v3 =	vld [tilespmem:s17+$0x30];
	[tilespmem:s15+$0x40] =	vst v7;
	s15 =	smov.u32 s17  }
0x38: {  	v7 =	vld [tilespmem:s15+$0x40]  }
0x39: {  	v5 =	vsub.s32 v5, v0  }
0x3a: {  	v5 =	vmin.u32 v5, $0x1400;
	v6 =	vsub.s32 v6, v0  }
0x3b: {  	[tilespmem:s15+$0x0] =	vst v5;
	v62 =	vmin.u32 v6, $0x1400;
	v4 =	vsub.s32 v4, v0  }
0x3c: {  	[tilespmem:s15+$0x10] =	vst v62;
	v4 =	vmin.u32 v4, $0x1400;
	v3 =	vsub.s32 v3, v0  }
0x3d: {  	[tilespmem:s15+$0x20] =	vst v4;
	v3 =	vmin.u32 v3, $0x1400;
	v63 =	vsub.s32 v7, v0  }
0x3e: {  	[tilespmem:s15+$0x30] =	vst v3;
	v3 =	vmin.u32 v63, $0x1400  }
0x3f: {  	s21 =	simm.s32 $0x0;
	[tilespmem:s15+$0x40] =	vst v3  }
0x40: {  	[spmem:s1] =	stream.indirect.scatter [tilespmem:s12], [sflag:$0x1], $0x10, s21, s11, $0xb8;
	[tilespmem:$0x10C08] =	vst v63  }
0x41: {  	s22 =	simm.s32 $0x80  }
0x42: {  	[spmem:s1] =	stream.indirect.scatter [tilespmem:s12], [sflag:$0x1], $0x10, s22, s11, $0xb8;
	[tilespmem:$0x10C08] =	vst v63  }
0x43: {  	s23 =	simm.s32 $0x100  }
0x44: {  	[spmem:s1] =	stream.indirect.scatter [tilespmem:s12], [sflag:$0x1], $0x10, s23, s11, $0xb8;
	[tilespmem:$0x10C08] =	vst v63  }
0x45: {  	s24 =	simm.s32 $0x180  }
0x46: {  	[spmem:s1] =	stream.indirect.scatter [tilespmem:s12], [sflag:$0x1], $0x10, s24, s11, $0xb8;
	[tilespmem:$0x10C08] =	vst v63  }
0x47: {  	s25 =	simm.s32 $0x200  }
0x48: {  	[spmem:s1] =	stream.indirect.scatter [tilespmem:s12], [sflag:$0x1], $0x10, s25, s11, $0xb8;
	[tilespmem:$0x10C08] =	vst v63  }
0x49: {  	s26 =	simm.s32 $0x280  }
0x4a: {  	[spmem:s1] =	stream.indirect.scatter [tilespmem:s12], [sflag:$0x1], $0x10, s26, s11, $0xb8;
	[tilespmem:$0x10C08] =	vst v63  }
0x4b: {  	s28 =	simm.s32 $0x300  }
0x4c: {  	[spmem:s1] =	stream.indirect.scatter [tilespmem:s12], [sflag:$0x1], $0x10, s28, s11, $0xb8;
	[tilespmem:$0x10C08] =	vst v63  }
0x4d: {  	s29 =	simm.s32 $0x380  }
0x4e: {  	[spmem:s1] =	stream.indirect.scatter [tilespmem:s12], [sflag:$0x1], $0x10, s29, s11, $0xb8;
	[tilespmem:$0x10C08] =	vst v63  }
0x4f: {  	s30 =	simm.s32 $0x400  }
0x50: {  	[spmem:s1] =	stream.indirect.scatter [tilespmem:s12], [sflag:$0x1], $0x10, s30, s11, $0xb8;
	[tilespmem:$0x10C08] =	vst v63  }
0x51: {  	s31 =	simm.s32 $0x480  }
0x52: {  	[spmem:s1] =	stream.indirect.scatter [tilespmem:s12], [sflag:$0x1], $0x10, s31, s11, $0xb8;
	[tilespmem:$0x10C08] =	vst v63  }
0x53: {  	s16 =	simm.s32 $0x500  }
0x54: {  	[spmem:s1] =	stream.indirect.scatter [tilespmem:s12], [sflag:$0x1], $0x10, s16, s11, $0xb8;
	[tilespmem:$0x10C08] =	vst v63  }
0x55: {  	s17 =	simm.s32 $0x580  }
0x56: {  	[spmem:s1] =	stream.indirect.scatter [tilespmem:s12], [sflag:$0x1], $0x10, s17, s11, $0xb8;
	[tilespmem:$0x10C08] =	vst v63  }
0x57: {  	s18 =	simm.s32 $0x600  }
0x58: {  	[spmem:s1] =	stream.indirect.scatter [tilespmem:s12], [sflag:$0x1], $0x10, s18, s11, $0xb8;
	[tilespmem:$0x10C08] =	vst v63  }
0x59: {  	s19 =	simm.s32 $0x680  }
0x5a: {  	[spmem:s1] =	stream.indirect.scatter [tilespmem:s12], [sflag:$0x1], $0x10, s19, s11, $0xb8;
	[tilespmem:$0x10C08] =	vst v63  }
0x5b: {  	s20 =	simm.s32 $0x700  }
0x5c: {  	[spmem:s1] =	stream.indirect.scatter [tilespmem:s12], [sflag:$0x1], $0x10, s20, s11, $0xb8;
	[tilespmem:$0x10C08] =	vst v63  }
0x5d: {  	s21 =	simm.s32 $0x780  }
0x5e: {  	[spmem:s1] =	stream.indirect.scatter [tilespmem:s12], [sflag:$0x1], $0x10, s21, s11, $0xb8;
	[tilespmem:$0x10C08] =	vst v63  }
0x5f: {  	s22 =	simm.s32 $0x800  }
0x60: {  	[spmem:s1] =	stream.indirect.scatter [tilespmem:s12], [sflag:$0x1], $0x10, s22, s11, $0xb8;
	[tilespmem:$0x10C08] =	vst v63  }
0x61: {  	s23 =	simm.s32 $0x880  }
0x62: {  	[spmem:s1] =	stream.indirect.scatter [tilespmem:s12], [sflag:$0x1], $0x10, s23, s11, $0xb8;
	[tilespmem:$0x10C08] =	vst v63  }
0x63: {  	s24 =	simm.s32 $0x900  }
0x64: {  	[spmem:s1] =	stream.indirect.scatter [tilespmem:s12], [sflag:$0x1], $0x10, s24, s11, $0xb8;
	[tilespmem:$0x10C08] =	vst v63  }
0x65: {  	s25 =	simm.s32 $0x980  }
0x66: {  	[spmem:s1] =	stream.indirect.scatter [tilespmem:s12], [sflag:$0x1], $0x10, s25, s11, $0xb8;
	[tilespmem:$0x10C08] =	vst v63  }
0x67: {  	s26 =	simm.s32 $0xA00  }
0x68: {  	[spmem:s1] =	stream.indirect.scatter [tilespmem:s12], [sflag:$0x1], $0x10, s26, s11, $0xb8;
	[tilespmem:$0x10C08] =	vst v63  }
0x69: {  	s28 =	simm.s32 $0xA80  }
0x6a: {  	[spmem:s1] =	stream.indirect.scatter [tilespmem:s12], [sflag:$0x1], $0x10, s28, s11, $0xb8;
	[tilespmem:$0x10C08] =	vst v63  }
0x6b: {  	s29 =	simm.s32 $0xB00  }
0x6c: {  	[spmem:s1] =	stream.indirect.scatter [tilespmem:s12], [sflag:$0x1], $0x10, s29, s11, $0xb8;
	[tilespmem:$0x10C08] =	vst v63  }
0x6d: {  	s30 =	simm.s32 $0xB80  }
0x6e: {  	[spmem:s1] =	stream.indirect.scatter [tilespmem:s12], [sflag:$0x1], $0x10, s30, s11, $0xb8;
	[tilespmem:$0x10C08] =	vst v63  }
0x6f: {  	s31 =	simm.s32 $0xC00  }
0x70: {  	[spmem:s1] =	stream.indirect.scatter [tilespmem:s12], [sflag:$0x1], $0x10, s31, s11, $0xb8;
	[tilespmem:$0x10C08] =	vst v63  }
0x71: {  	_ =	swait.ge [sflag:s13], $0x500  }
0x72: {  	[sflag:s13] =	ssyncset.done $0x0  }
0x73: {  	[sflag:s13] =	ssyncadd.s32 $0xFFFFFB00  }
0x74: {  	_ =	swait.ge [sflag:s13], $0x500  }
0x75: {  	[sflag:s13] =	ssyncset.done $0x0  }
0x76: {  	[sflag:s13] =	ssyncadd.s32 $0xFFFFFB00  }
0x77: {  	_ =	swait.ge [sflag:s13], $0x500  }
0x78: {  	[sflag:s13] =	ssyncset.done $0x0  }
0x79: {  	[sflag:s13] =	ssyncadd.s32 $0xFFFFFB00  }
0x7a: {  	_ =	swait.ge [sflag:s13], $0x500  }
0x7b: {  	[sflag:s13] =	ssyncset.done $0x0  }
0x7c: {  	[sflag:s13] =	ssyncadd.s32 $0xFFFFFB00  }
0x7d: {  	_ =	swait.ge [sflag:s13], $0x500  }
0x7e: {  	[sflag:s13] =	ssyncset.done $0x0  }
0x7f: {  	[sflag:s13] =	ssyncadd.s32 $0xFFFFFB00  }
0x80: {  	_ =	swait.ge [sflag:s13], $0x500  }
0x81: {  	[sflag:s13] =	ssyncset.done $0x0  }
0x82: {  	[sflag:s13] =	ssyncadd.s32 $0xFFFFFB00  }
0x83: {  	_ =	swait.ge [sflag:s13], $0x500  }
0x84: {  	[sflag:s13] =	ssyncset.done $0x0  }
0x85: {  	[sflag:s13] =	ssyncadd.s32 $0xFFFFFB00  }
0x86: {  	_ =	swait.ge [sflag:s13], $0x500  }
0x87: {  	[sflag:s13] =	ssyncset.done $0x0  }
0x88: {  	[sflag:s13] =	ssyncadd.s32 $0xFFFFFB00  }
0x89: {  	_ =	swait.ge [sflag:s13], $0x500  }
0x8a: {  	[sflag:s13] =	ssyncset.done $0x0  }
0x8b: {  	[sflag:s13] =	ssyncadd.s32 $0xFFFFFB00  }
0x8c: {  	_ =	swait.ge [sflag:s13], $0x500  }
0x8d: {  	[sflag:s13] =	ssyncset.done $0x0  }
0x8e: {  	[sflag:s13] =	ssyncadd.s32 $0xFFFFFB00  }
0x8f: {  	_ =	swait.ge [sflag:s13], $0x500  }
0x90: {  	[sflag:s13] =	ssyncset.done $0x0  }
0x91: {  	[sflag:s13] =	ssyncadd.s32 $0xFFFFFB00  }
0x92: {  	_ =	swait.ge [sflag:s13], $0x500  }
0x93: {  	[sflag:s13] =	ssyncset.done $0x0  }
0x94: {  	[sflag:s13] =	ssyncadd.s32 $0xFFFFFB00  }
0x95: {  	_ =	swait.ge [sflag:s13], $0x500  }
0x96: {  	[sflag:s13] =	ssyncset.done $0x0  }
0x97: {  	[sflag:s13] =	ssyncadd.s32 $0xFFFFFB00  }
0x98: {  	_ =	swait.ge [sflag:s13], $0x500  }
0x99: {  	[sflag:s13] =	ssyncset.done $0x0  }
0x9a: {  	[sflag:s13] =	ssyncadd.s32 $0xFFFFFB00  }
0x9b: {  	_ =	swait.ge [sflag:s13], $0x500  }
0x9c: {  	[sflag:s13] =	ssyncset.done $0x0  }
0x9d: {  	[sflag:s13] =	ssyncadd.s32 $0xFFFFFB00  }
0x9e: {  	_ =	swait.ge [sflag:s13], $0x500  }
0x9f: {  	[sflag:s13] =	ssyncset.done $0x0  }
0xa0: {  	[sflag:s13] =	ssyncadd.s32 $0xFFFFFB00  }
0xa1: {  	_ =	swait.ge [sflag:s13], $0x500  }
0xa2: {  	[sflag:s13] =	ssyncset.done $0x0  }
0xa3: {  	[sflag:s13] =	ssyncadd.s32 $0xFFFFFB00  }
0xa4: {  	_ =	swait.ge [sflag:s13], $0x500  }
0xa5: {  	[sflag:s13] =	ssyncset.done $0x0  }
0xa6: {  	[sflag:s13] =	ssyncadd.s32 $0xFFFFFB00  }
0xa7: {  	_ =	swait.ge [sflag:s13], $0x500  }
0xa8: {  	[sflag:s13] =	ssyncset.done $0x0  }
0xa9: {  	[sflag:s13] =	ssyncadd.s32 $0xFFFFFB00  }
0xaa: {  	_ =	swait.ge [sflag:s13], $0x500  }
0xab: {  	[sflag:s13] =	ssyncset.done $0x0  }
0xac: {  	[sflag:s13] =	ssyncadd.s32 $0xFFFFFB00  }
0xad: {  	_ =	swait.ge [sflag:s13], $0x500  }
0xae: {  	[sflag:s13] =	ssyncset.done $0x0  }
0xaf: {  	[sflag:s13] =	ssyncadd.s32 $0xFFFFFB00  }
0xb0: {  	_ =	swait.ge [sflag:s13], $0x500  }
0xb1: {  	[sflag:s13] =	ssyncset.done $0x0  }
0xb2: {  	[sflag:s13] =	ssyncadd.s32 $0xFFFFFB00  }
0xb3: {  	_ =	swait.ge [sflag:s13], $0x500  }
0xb4: {  	[sflag:s13] =	ssyncset.done $0x0  }
0xb5: {  	[sflag:s13] =	ssyncadd.s32 $0xFFFFFB00  }
0xb6: {  	_ =	swait.ge [sflag:s13], $0x500  }
0xb7: {  	[sflag:s13] =	ssyncset.done $0x0  }
0xb8: {  	[sflag:s13] =	ssyncadd.s32 $0xFFFFFB00  }
0xb9: {  	_ =	swait.ge [sflag:s13], $0x500  }
0xba: {  	s15 =	simm.s32 $0x3200;
	s18 =	simm.s32 $0x6400;
	[sflag:s13] =	ssyncset.done $0x0  }
.LBB2_8:
0xbb: {  	s17 =	sshra.s32 s15, $0x2  }
0xbc: {  	[sflag:s13] =	ssyncadd.s32 $0xFFFFFB00;
	s15 =	smov.u32 s18;
	s16 =	sadd.s32 $0x3200, s18  }
0xbd: {  	[spmem:s1] =	stream.indirect.scatter [tilespmem:s12], [sflag:$0x1], $0x10, s17, s11, $0xb8;
	[tilespmem:$0x10C08] =	vst v63  }
0xbe: {  	p1 =	sne.s32 s18, $0x1C200;
	s18 =	sadd.s32 $0x80, s17  }
0xbf: {  	[spmem:s1] =	stream.indirect.scatter [tilespmem:s12], [sflag:$0x1], $0x10, s18, s11, $0xb8;
	[tilespmem:$0x10C08] =	vst v63  }
0xc0: {  	s18 =	sadd.s32 $0x100, s17  }
0xc1: {  	[spmem:s1] =	stream.indirect.scatter [tilespmem:s12], [sflag:$0x1], $0x10, s18, s11, $0xb8;
	[tilespmem:$0x10C08] =	vst v63  }
0xc2: {  	s18 =	sadd.s32 $0x180, s17  }
0xc3: {  	[spmem:s1] =	stream.indirect.scatter [tilespmem:s12], [sflag:$0x1], $0x10, s18, s11, $0xb8;
	[tilespmem:$0x10C08] =	vst v63  }
0xc4: {  	s18 =	sadd.s32 $0x200, s17  }
0xc5: {  	[spmem:s1] =	stream.indirect.scatter [tilespmem:s12], [sflag:$0x1], $0x10, s18, s11, $0xb8;
	[tilespmem:$0x10C08] =	vst v63  }
0xc6: {  	s18 =	sadd.s32 $0x280, s17  }
0xc7: {  	[spmem:s1] =	stream.indirect.scatter [tilespmem:s12], [sflag:$0x1], $0x10, s18, s11, $0xb8;
	[tilespmem:$0x10C08] =	vst v63  }
0xc8: {  	s18 =	sadd.s32 $0x300, s17  }
0xc9: {  	[spmem:s1] =	stream.indirect.scatter [tilespmem:s12], [sflag:$0x1], $0x10, s18, s11, $0xb8;
	[tilespmem:$0x10C08] =	vst v63  }
0xca: {  	s18 =	sadd.s32 $0x380, s17  }
0xcb: {  	[spmem:s1] =	stream.indirect.scatter [tilespmem:s12], [sflag:$0x1], $0x10, s18, s11, $0xb8;
	[tilespmem:$0x10C08] =	vst v63  }
0xcc: {  	s18 =	sadd.s32 $0x400, s17  }
0xcd: {  	[spmem:s1] =	stream.indirect.scatter [tilespmem:s12], [sflag:$0x1], $0x10, s18, s11, $0xb8;
	[tilespmem:$0x10C08] =	vst v63  }
0xce: {  	s18 =	sadd.s32 $0x480, s17  }
0xcf: {  	[spmem:s1] =	stream.indirect.scatter [tilespmem:s12], [sflag:$0x1], $0x10, s18, s11, $0xb8;
	[tilespmem:$0x10C08] =	vst v63  }
0xd0: {  	s18 =	sadd.s32 $0x500, s17  }
0xd1: {  	[spmem:s1] =	stream.indirect.scatter [tilespmem:s12], [sflag:$0x1], $0x10, s18, s11, $0xb8;
	[tilespmem:$0x10C08] =	vst v63  }
0xd2: {  	s18 =	sadd.s32 $0x580, s17  }
0xd3: {  	[spmem:s1] =	stream.indirect.scatter [tilespmem:s12], [sflag:$0x1], $0x10, s18, s11, $0xb8;
	[tilespmem:$0x10C08] =	vst v63  }
0xd4: {  	s18 =	sadd.s32 $0x600, s17  }
0xd5: {  	[spmem:s1] =	stream.indirect.scatter [tilespmem:s12], [sflag:$0x1], $0x10, s18, s11, $0xb8;
	[tilespmem:$0x10C08] =	vst v63  }
0xd6: {  	s18 =	sadd.s32 $0x680, s17  }
0xd7: {  	[spmem:s1] =	stream.indirect.scatter [tilespmem:s12], [sflag:$0x1], $0x10, s18, s11, $0xb8;
	[tilespmem:$0x10C08] =	vst v63  }
0xd8: {  	s18 =	sadd.s32 $0x700, s17  }
0xd9: {  	[spmem:s1] =	stream.indirect.scatter [tilespmem:s12], [sflag:$0x1], $0x10, s18, s11, $0xb8;
	[tilespmem:$0x10C08] =	vst v63  }
0xda: {  	s18 =	sadd.s32 $0x780, s17  }
0xdb: {  	[spmem:s1] =	stream.indirect.scatter [tilespmem:s12], [sflag:$0x1], $0x10, s18, s11, $0xb8;
	[tilespmem:$0x10C08] =	vst v63  }
0xdc: {  	s18 =	sadd.s32 $0x800, s17  }
0xdd: {  	[spmem:s1] =	stream.indirect.scatter [tilespmem:s12], [sflag:$0x1], $0x10, s18, s11, $0xb8;
	[tilespmem:$0x10C08] =	vst v63  }
0xde: {  	s18 =	sadd.s32 $0x880, s17  }
0xdf: {  	[spmem:s1] =	stream.indirect.scatter [tilespmem:s12], [sflag:$0x1], $0x10, s18, s11, $0xb8;
	[tilespmem:$0x10C08] =	vst v63  }
0xe0: {  	s18 =	sadd.s32 $0x900, s17  }
0xe1: {  	[spmem:s1] =	stream.indirect.scatter [tilespmem:s12], [sflag:$0x1], $0x10, s18, s11, $0xb8;
	[tilespmem:$0x10C08] =	vst v63  }
0xe2: {  	s18 =	sadd.s32 $0x980, s17  }
0xe3: {  	[spmem:s1] =	stream.indirect.scatter [tilespmem:s12], [sflag:$0x1], $0x10, s18, s11, $0xb8;
	[tilespmem:$0x10C08] =	vst v63  }
0xe4: {  	s18 =	sadd.s32 $0xA00, s17  }
0xe5: {  	[spmem:s1] =	stream.indirect.scatter [tilespmem:s12], [sflag:$0x1], $0x10, s18, s11, $0xb8;
	[tilespmem:$0x10C08] =	vst v63  }
0xe6: {  	s18 =	sadd.s32 $0xA80, s17  }
0xe7: {  	[spmem:s1] =	stream.indirect.scatter [tilespmem:s12], [sflag:$0x1], $0x10, s18, s11, $0xb8;
	[tilespmem:$0x10C08] =	vst v63  }
0xe8: {  	s18 =	sadd.s32 $0xB00, s17  }
0xe9: {  	[spmem:s1] =	stream.indirect.scatter [tilespmem:s12], [sflag:$0x1], $0x10, s18, s11, $0xb8;
	[tilespmem:$0x10C08] =	vst v63  }
0xea: {  	s18 =	sadd.s32 $0xB80, s17  }
0xeb: {  	[spmem:s1] =	stream.indirect.scatter [tilespmem:s12], [sflag:$0x1], $0x10, s18, s11, $0xb8;
	[tilespmem:$0x10C08] =	vst v63  }
0xec: {  	s17 =	sadd.s32 $0xC00, s17  }
0xed: {  	[spmem:s1] =	stream.indirect.scatter [tilespmem:s12], [sflag:$0x1], $0x10, s17, s11, $0xb8;
	[tilespmem:$0x10C08] =	vst v63  }
0xee: {  	_ =	swait.ge [sflag:s13], $0x500  }
0xef: {  	[sflag:s13] =	ssyncset.done $0x0  }
0xf0: {  	[sflag:s13] =	ssyncadd.s32 $0xFFFFFB00  }
0xf1: {  	_ =	swait.ge [sflag:s13], $0x500  }
0xf2: {  	[sflag:s13] =	ssyncset.done $0x0  }
0xf3: {  	[sflag:s13] =	ssyncadd.s32 $0xFFFFFB00  }
0xf4: {  	_ =	swait.ge [sflag:s13], $0x500  }
0xf5: {  	[sflag:s13] =	ssyncset.done $0x0  }
0xf6: {  	[sflag:s13] =	ssyncadd.s32 $0xFFFFFB00  }
0xf7: {  	_ =	swait.ge [sflag:s13], $0x500  }
0xf8: {  	[sflag:s13] =	ssyncset.done $0x0  }
0xf9: {  	[sflag:s13] =	ssyncadd.s32 $0xFFFFFB00  }
0xfa: {  	_ =	swait.ge [sflag:s13], $0x500  }
0xfb: {  	[sflag:s13] =	ssyncset.done $0x0  }
0xfc: {  	[sflag:s13] =	ssyncadd.s32 $0xFFFFFB00  }
0xfd: {  	_ =	swait.ge [sflag:s13], $0x500  }
0xfe: {  	[sflag:s13] =	ssyncset.done $0x0  }
0xff: {  	[sflag:s13] =	ssyncadd.s32 $0xFFFFFB00  }
0x100: {  	_ =	swait.ge [sflag:s13], $0x500  }
0x101: {  	[sflag:s13] =	ssyncset.done $0x0  }
0x102: {  	[sflag:s13] =	ssyncadd.s32 $0xFFFFFB00  }
0x103: {  	_ =	swait.ge [sflag:s13], $0x500  }
0x104: {  	[sflag:s13] =	ssyncset.done $0x0  }
0x105: {  	[sflag:s13] =	ssyncadd.s32 $0xFFFFFB00  }
0x106: {  	_ =	swait.ge [sflag:s13], $0x500  }
0x107: {  	[sflag:s13] =	ssyncset.done $0x0  }
0x108: {  	[sflag:s13] =	ssyncadd.s32 $0xFFFFFB00  }
0x109: {  	_ =	swait.ge [sflag:s13], $0x500  }
0x10a: {  	[sflag:s13] =	ssyncset.done $0x0  }
0x10b: {  	[sflag:s13] =	ssyncadd.s32 $0xFFFFFB00  }
0x10c: {  	_ =	swait.ge [sflag:s13], $0x500  }
0x10d: {  	[sflag:s13] =	ssyncset.done $0x0  }
0x10e: {  	[sflag:s13] =	ssyncadd.s32 $0xFFFFFB00  }
0x10f: {  	_ =	swait.ge [sflag:s13], $0x500  }
0x110: {  	[sflag:s13] =	ssyncset.done $0x0  }
0x111: {  	[sflag:s13] =	ssyncadd.s32 $0xFFFFFB00  }
0x112: {  	_ =	swait.ge [sflag:s13], $0x500  }
0x113: {  	[sflag:s13] =	ssyncset.done $0x0  }
0x114: {  	[sflag:s13] =	ssyncadd.s32 $0xFFFFFB00  }
0x115: {  	_ =	swait.ge [sflag:s13], $0x500  }
0x116: {  	[sflag:s13] =	ssyncset.done $0x0  }
0x117: {  	[sflag:s13] =	ssyncadd.s32 $0xFFFFFB00  }
0x118: {  	_ =	swait.ge [sflag:s13], $0x500  }
0x119: {  	[sflag:s13] =	ssyncset.done $0x0  }
0x11a: {  	[sflag:s13] =	ssyncadd.s32 $0xFFFFFB00  }
0x11b: {  	_ =	swait.ge [sflag:s13], $0x500  }
0x11c: {  	[sflag:s13] =	ssyncset.done $0x0  }
0x11d: {  	[sflag:s13] =	ssyncadd.s32 $0xFFFFFB00  }
0x11e: {  	_ =	swait.ge [sflag:s13], $0x500  }
0x11f: {  	[sflag:s13] =	ssyncset.done $0x0  }
0x120: {  	[sflag:s13] =	ssyncadd.s32 $0xFFFFFB00  }
0x121: {  	_ =	swait.ge [sflag:s13], $0x500  }
0x122: {  	[sflag:s13] =	ssyncset.done $0x0  }
0x123: {  	[sflag:s13] =	ssyncadd.s32 $0xFFFFFB00  }
0x124: {  	_ =	swait.ge [sflag:s13], $0x500  }
0x125: {  	[sflag:s13] =	ssyncset.done $0x0  }
0x126: {  	[sflag:s13] =	ssyncadd.s32 $0xFFFFFB00  }
0x127: {  	_ =	swait.ge [sflag:s13], $0x500  }
0x128: {  	[sflag:s13] =	ssyncset.done $0x0  }
0x129: {  	[sflag:s13] =	ssyncadd.s32 $0xFFFFFB00  }
0x12a: {  	_ =	swait.ge [sflag:s13], $0x500  }
0x12b: {  	[sflag:s13] =	ssyncset.done $0x0  }
0x12c: {  	[sflag:s13] =	ssyncadd.s32 $0xFFFFFB00  }
0x12d: {  	_ =	swait.ge [sflag:s13], $0x500  }
0x12e: {  	[sflag:s13] =	ssyncset.done $0x0  }
0x12f: {  	[sflag:s13] =	ssyncadd.s32 $0xFFFFFB00  }
0x130: {  	_ =	swait.ge [sflag:s13], $0x500  }
0x131: {  	[sflag:s13] =	ssyncset.done $0x0  }
0x132: {  	[sflag:s13] =	ssyncadd.s32 $0xFFFFFB00  }
.Ltmp3:
0x133: {  	_ =	swait.ge [sflag:s13], $0x500;
	(pc) =	sbr.rel @p1 .LBB2_8-.Ltmp3, $4  }
0x134: {  	[sflag:s13] =	ssyncset.done $0x0  }
0x135: {  	[sflag:s13] =	ssyncadd.s32 $0xFFFFFB00  }
0x136: {  	_ =	swait.ge [sflag:s13], $0x500  }
0x137: {  	s18 =	smov.u32 s16;
	[sflag:s13] =	ssyncset.done $0x0  }
0x138: {  	s15 =	sshra.s32 s15, $0x2;
	[sflag:s13] =	ssyncadd.s32 $0xFFFFFB00  }
0x139: {  	[spmem:s1] =	stream.indirect.scatter [tilespmem:s12], [sflag:$0x1], $0x10, s15, s11, $0xb8;
	[tilespmem:$0x10C08] =	vst v63  }
0x13a: {  	s16 =	sadd.s32 $0x80, s15  }
0x13b: {  	[spmem:s1] =	stream.indirect.scatter [tilespmem:s12], [sflag:$0x1], $0x10, s16, s11, $0xb8;
	[tilespmem:$0x10C08] =	vst v63  }
0x13c: {  	s22 =	sadd.s32 $0x100, s15  }
0x13d: {  	[spmem:s1] =	stream.indirect.scatter [tilespmem:s12], [sflag:$0x1], $0x10, s22, s11, $0xb8;
	[tilespmem:$0x10C08] =	vst v63  }
0x13e: {  	s23 =	sadd.s32 $0x180, s15  }
0x13f: {  	[spmem:s1] =	stream.indirect.scatter [tilespmem:s12], [sflag:$0x1], $0x10, s23, s11, $0xb8;
	[tilespmem:$0x10C08] =	vst v63  }
0x140: {  	s24 =	sadd.s32 $0x200, s15  }
0x141: {  	[spmem:s1] =	stream.indirect.scatter [tilespmem:s12], [sflag:$0x1], $0x10, s24, s11, $0xb8;
	[tilespmem:$0x10C08] =	vst v63  }
0x142: {  	s25 =	sadd.s32 $0x280, s15  }
0x143: {  	[spmem:s1] =	stream.indirect.scatter [tilespmem:s12], [sflag:$0x1], $0x10, s25, s11, $0xb8;
	[tilespmem:$0x10C08] =	vst v63  }
0x144: {  	s26 =	sadd.s32 $0x300, s15  }
0x145: {  	[spmem:s1] =	stream.indirect.scatter [tilespmem:s12], [sflag:$0x1], $0x10, s26, s11, $0xb8;
	[tilespmem:$0x10C08] =	vst v63  }
0x146: {  	s28 =	sadd.s32 $0x380, s15  }
0x147: {  	[spmem:s1] =	stream.indirect.scatter [tilespmem:s12], [sflag:$0x1], $0x10, s28, s11, $0xb8;
	[tilespmem:$0x10C08] =	vst v63  }
0x148: {  	s29 =	sadd.s32 $0x400, s15  }
0x149: {  	[spmem:s1] =	stream.indirect.scatter [tilespmem:s12], [sflag:$0x1], $0x10, s29, s11, $0xb8;
	[tilespmem:$0x10C08] =	vst v63  }
0x14a: {  	s30 =	sadd.s32 $0x480, s15  }
0x14b: {  	[spmem:s1] =	stream.indirect.scatter [tilespmem:s12], [sflag:$0x1], $0x10, s30, s11, $0xb8;
	[tilespmem:$0x10C08] =	vst v63  }
0x14c: {  	s31 =	sadd.s32 $0x500, s15  }
0x14d: {  	[spmem:s1] =	stream.indirect.scatter [tilespmem:s12], [sflag:$0x1], $0x10, s31, s11, $0xb8;
	[tilespmem:$0x10C08] =	vst v63  }
0x14e: {  	s17 =	sadd.s32 $0x580, s15  }
0x14f: {  	[spmem:s1] =	stream.indirect.scatter [tilespmem:s12], [sflag:$0x1], $0x10, s17, s11, $0xb8;
	[tilespmem:$0x10C08] =	vst v63  }
0x150: {  	s18 =	sadd.s32 $0x600, s15  }
0x151: {  	[spmem:s1] =	stream.indirect.scatter [tilespmem:s12], [sflag:$0x1], $0x10, s18, s11, $0xb8;
	[tilespmem:$0x10C08] =	vst v63  }
0x152: {  	s19 =	sadd.s32 $0x680, s15  }
0x153: {  	[spmem:s1] =	stream.indirect.scatter [tilespmem:s12], [sflag:$0x1], $0x10, s19, s11, $0xb8;
	[tilespmem:$0x10C08] =	vst v63  }
0x154: {  	s20 =	sadd.s32 $0x700, s15  }
0x155: {  	[spmem:s1] =	stream.indirect.scatter [tilespmem:s12], [sflag:$0x1], $0x10, s20, s11, $0xb8;
	[tilespmem:$0x10C08] =	vst v63  }
0x156: {  	s21 =	sadd.s32 $0x780, s15  }
0x157: {  	[spmem:s1] =	stream.indirect.scatter [tilespmem:s12], [sflag:$0x1], $0x10, s21, s11, $0xb8;
	[tilespmem:$0x10C08] =	vst v63  }
0x158: {  	s22 =	sadd.s32 $0x800, s15  }
0x159: {  	[spmem:s1] =	stream.indirect.scatter [tilespmem:s12], [sflag:$0x1], $0x10, s22, s11, $0xb8;
	[tilespmem:$0x10C08] =	vst v63  }
0x15a: {  	s23 =	sadd.s32 $0x880, s15  }
0x15b: {  	[spmem:s1] =	stream.indirect.scatter [tilespmem:s12], [sflag:$0x1], $0x10, s23, s11, $0xb8;
	[tilespmem:$0x10C08] =	vst v63  }
0x15c: {  	s24 =	sadd.s32 $0x900, s15  }
0x15d: {  	[spmem:s1] =	stream.indirect.scatter [tilespmem:s12], [sflag:$0x1], $0x10, s24, s11, $0xb8;
	[tilespmem:$0x10C08] =	vst v63  }
0x15e: {  	s25 =	sadd.s32 $0x980, s15  }
0x15f: {  	[spmem:s1] =	stream.indirect.scatter [tilespmem:s12], [sflag:$0x1], $0x10, s25, s11, $0xb8;
	[tilespmem:$0x10C08] =	vst v63  }
0x160: {  	s26 =	sadd.s32 $0xA00, s15  }
0x161: {  	[spmem:s1] =	stream.indirect.scatter [tilespmem:s12], [sflag:$0x1], $0x10, s26, s11, $0xb8;
	[tilespmem:$0x10C08] =	vst v63  }
0x162: {  	s28 =	sadd.s32 $0xA80, s15  }
0x163: {  	[spmem:s1] =	stream.indirect.scatter [tilespmem:s12], [sflag:$0x1], $0x10, s28, s11, $0xb8;
	[tilespmem:$0x10C08] =	vst v63  }
0x164: {  	s29 =	sadd.s32 $0xB00, s15  }
0x165: {  	[spmem:s1] =	stream.indirect.scatter [tilespmem:s12], [sflag:$0x1], $0x10, s29, s11, $0xb8;
	[tilespmem:$0x10C08] =	vst v63  }
0x166: {  	s30 =	sadd.s32 $0xB80, s15  }
0x167: {  	[spmem:s1] =	stream.indirect.scatter [tilespmem:s12], [sflag:$0x1], $0x10, s30, s11, $0xb8;
	[tilespmem:$0x10C08] =	vst v63  }
0x168: {  	s15 =	sadd.s32 $0xC00, s15  }
0x169: {  	[spmem:s1] =	stream.indirect.scatter [tilespmem:s12], [sflag:$0x1], $0x10, s15, s11, $0xb8;
	[tilespmem:$0x10C08] =	vst v63  }
0x16a: {  	_ =	swait.ge [sflag:s13], $0x500  }
0x16b: {  	[sflag:s13] =	ssyncset.done $0x0  }
0x16c: {  	[sflag:s13] =	ssyncadd.s32 $0xFFFFFB00  }
0x16d: {  	_ =	swait.ge [sflag:s13], $0x500  }
0x16e: {  	[sflag:s13] =	ssyncset.done $0x0  }
0x16f: {  	[sflag:s13] =	ssyncadd.s32 $0xFFFFFB00  }
0x170: {  	_ =	swait.ge [sflag:s13], $0x500  }
0x171: {  	[sflag:s13] =	ssyncset.done $0x0  }
0x172: {  	[sflag:s13] =	ssyncadd.s32 $0xFFFFFB00  }
0x173: {  	_ =	swait.ge [sflag:s13], $0x500  }
0x174: {  	[sflag:s13] =	ssyncset.done $0x0  }
0x175: {  	[sflag:s13] =	ssyncadd.s32 $0xFFFFFB00  }
0x176: {  	_ =	swait.ge [sflag:s13], $0x500  }
0x177: {  	[sflag:s13] =	ssyncset.done $0x0  }
0x178: {  	[sflag:s13] =	ssyncadd.s32 $0xFFFFFB00  }
0x179: {  	_ =	swait.ge [sflag:s13], $0x500  }
0x17a: {  	[sflag:s13] =	ssyncset.done $0x0  }
0x17b: {  	[sflag:s13] =	ssyncadd.s32 $0xFFFFFB00  }
0x17c: {  	_ =	swait.ge [sflag:s13], $0x500  }
0x17d: {  	[sflag:s13] =	ssyncset.done $0x0  }
0x17e: {  	[sflag:s13] =	ssyncadd.s32 $0xFFFFFB00  }
0x17f: {  	_ =	swait.ge [sflag:s13], $0x500  }
0x180: {  	[sflag:s13] =	ssyncset.done $0x0  }
0x181: {  	[sflag:s13] =	ssyncadd.s32 $0xFFFFFB00  }
0x182: {  	_ =	swait.ge [sflag:s13], $0x500  }
0x183: {  	[sflag:s13] =	ssyncset.done $0x0  }
0x184: {  	[sflag:s13] =	ssyncadd.s32 $0xFFFFFB00  }
0x185: {  	_ =	swait.ge [sflag:s13], $0x500  }
0x186: {  	[sflag:s13] =	ssyncset.done $0x0  }
0x187: {  	[sflag:s13] =	ssyncadd.s32 $0xFFFFFB00  }
0x188: {  	_ =	swait.ge [sflag:s13], $0x500  }
0x189: {  	[sflag:s13] =	ssyncset.done $0x0  }
0x18a: {  	[sflag:s13] =	ssyncadd.s32 $0xFFFFFB00  }
0x18b: {  	_ =	swait.ge [sflag:s13], $0x500  }
0x18c: {  	[sflag:s13] =	ssyncset.done $0x0  }
0x18d: {  	[sflag:s13] =	ssyncadd.s32 $0xFFFFFB00  }
0x18e: {  	_ =	swait.ge [sflag:s13], $0x500  }
0x18f: {  	[sflag:s13] =	ssyncset.done $0x0  }
0x190: {  	[sflag:s13] =	ssyncadd.s32 $0xFFFFFB00  }
0x191: {  	_ =	swait.ge [sflag:s13], $0x500  }
0x192: {  	[sflag:s13] =	ssyncset.done $0x0  }
0x193: {  	[sflag:s13] =	ssyncadd.s32 $0xFFFFFB00  }
0x194: {  	_ =	swait.ge [sflag:s13], $0x500  }
0x195: {  	[sflag:s13] =	ssyncset.done $0x0  }
0x196: {  	[sflag:s13] =	ssyncadd.s32 $0xFFFFFB00  }
0x197: {  	_ =	swait.ge [sflag:s13], $0x500  }
0x198: {  	[sflag:s13] =	ssyncset.done $0x0  }
0x199: {  	[sflag:s13] =	ssyncadd.s32 $0xFFFFFB00  }
0x19a: {  	_ =	swait.ge [sflag:s13], $0x500  }
0x19b: {  	[sflag:s13] =	ssyncset.done $0x0  }
0x19c: {  	[sflag:s13] =	ssyncadd.s32 $0xFFFFFB00  }
0x19d: {  	_ =	swait.ge [sflag:s13], $0x500  }
0x19e: {  	[sflag:s13] =	ssyncset.done $0x0  }
0x19f: {  	[sflag:s13] =	ssyncadd.s32 $0xFFFFFB00  }
0x1a0: {  	_ =	swait.ge [sflag:s13], $0x500  }
0x1a1: {  	[sflag:s13] =	ssyncset.done $0x0  }
0x1a2: {  	[sflag:s13] =	ssyncadd.s32 $0xFFFFFB00  }
0x1a3: {  	_ =	swait.ge [sflag:s13], $0x500  }
0x1a4: {  	[sflag:s13] =	ssyncset.done $0x0  }
0x1a5: {  	[sflag:s13] =	ssyncadd.s32 $0xFFFFFB00  }
0x1a6: {  	_ =	swait.ge [sflag:s13], $0x500  }
0x1a7: {  	[sflag:s13] =	ssyncset.done $0x0  }
0x1a8: {  	[sflag:s13] =	ssyncadd.s32 $0xFFFFFB00  }
0x1a9: {  	_ =	swait.ge [sflag:s13], $0x500  }
0x1aa: {  	[sflag:s13] =	ssyncset.done $0x0  }
0x1ab: {  	[sflag:s13] =	ssyncadd.s32 $0xFFFFFB00  }
0x1ac: {  	_ =	swait.ge [sflag:s13], $0x500  }
0x1ad: {  	[sflag:s13] =	ssyncset.done $0x0  }
0x1ae: {  	[sflag:s13] =	ssyncadd.s32 $0xFFFFFB00  }
0x1af: {  	_ =	swait.ge [sflag:s13], $0x500  }
0x1b0: {  	[sflag:s13] =	ssyncset.done $0x0  }
0x1b1: {  	[sflag:s13] =	ssyncadd.s32 $0xFFFFFB00  }
0x1b2: {  	_ =	swait.ge [sflag:s13], $0x500  }
0x1b3: {  	s2 =	sadd.s32 $0x1, s2;
	[sflag:s13] =	ssyncset.done $0x0  }
0x1b4: {  	p1 =	sne.s32 s2, s8;
	[sflag:s13] =	ssyncadd.s32 $0xFFFFFB00  }
.Ltmp4:
0x1b5: {  	s31 =	sshrl.u32 s3, $0x3;
	[bflag:$0x0] =	sbarrier.arrive $0xFFFF;
	(pc) =	sbr.rel @p1 .LBB2_1-.Ltmp4, $4  }
0x1b6: {  	[hbm:s7], [sflag:s14] =	dma.local [spmem:s31], $0x1400  }
0x1b7: {  	_ =	swait.ge [sflag:s10], $0x1400  }
0x1b8: {  	[sflag:s10] =	ssyncset.done $0x0  }
0x1b9: {  	[sflag:s10] =	ssyncadd.s32 $0xFFFFEC00  }
0x1ba: {  	_ =	sfence.sel $0x180000  }
0x1bb: {  	[bflag:$0x0] =	sbarrier.arrive $0xFFFF  }
0x1bc: {  	_ =	strace $0x90000047  }
0x1bd: {  	s0 =	sadd.s32 @!p0 $0x100000, s0;
	[bflag:$0x2] =	sbarrier.arrive $0xFFFF  }
0x1be: {  	[sflag:s0] =	ssyncadd.tile.s32 @!p0 $0x1;
	_ =	shalt  }
.Lfunc_end2:
_tile_overlayer_lowered:
.L_overlay_start_2:
0x1bf: {  	(tag) =	ssettag $0x2  }
0x1c0: {  	s0 =	rddreg [dreg:$0x0];
	s2 =	stileid.u32  }
0x1c1: {  	s1 =	rddreg [dreg:$0x1];
	p0 =	sne.s32 s2, $0x0  }
0x1c2: {  	s3 =	rddreg [dreg:$0x2];
	[bflag:$0x3] =	sbarrier.arrive $0xFFFF;
	s2 =	simm.s32 @!p0 $0x1C02  }
0x1c3: {  	[timem:s3], [sflag:s2] =	dma.local @!p0 [hbm:s0], s1  }
0x1c4: {  	s0 =	simm.s32 @!p0 $0x2  }
0x1c5: {  	_ =	swait.ge @!p0 [sflag:s0], s1  }
0x1c6: {  	s1 =	ssub.s32 @!p0 $0x0, s1;
	[sflag:s0] =	ssyncset.done @!p0 $0x0  }
0x1c7: {  	[sflag:s0] =	ssyncadd.s32 @!p0 s1  }
0x1c8: {  	[bflag:$0x3] =	sbarrier.arrive $0xFFFF  }
0x1c9: {  	_ =	shalt  }

</sc_bundles>
